<compile_context>
chip_gen: v7x
topology: tpu7x:2x2x1
jax: 0.10.2.dev20260603
libtpu: 0.0.44.dev20260713+nightly
codegen_flags: <defaults>
</compile_context>

<pallas_src>
import functools

import jax
import jax.numpy as jnp
from jax import lax
from jax.experimental import pallas as pl
from jax.experimental.pallas import tpu as pltpu
from jax.experimental.pallas import tpu_sc as plsc

NC = 2
NS = 16
CHUNK = 128
TC_BLK = 2048
N_PAD = 1 << 20
N_LINES = N_PAD // 4
Q_SHIFT = 18


def _dequant_body(w0, w1, w2, w3, s_ref, o_ref):
    y = jnp.concatenate([w.astype(jnp.float32) for w in
                         (w0[...], w1[...], w2[...], w3[...])], axis=1)
    o_ref[...] = y * s_ref[...]


@functools.cache
def _build_dequant(emb_dim):
    bpq = N_LINES // TC_BLK
    return pl.pallas_call(
        _dequant_body,
        grid=(bpq,),
        in_specs=[
            pl.BlockSpec((TC_BLK, emb_dim),
                         lambda i, q=q: (q * bpq + i, 0))
            for q in range(4)
        ] + [pl.BlockSpec((1, 4 * emb_dim), lambda i: (0, 0))],
        out_specs=pl.BlockSpec((TC_BLK, 4 * emb_dim), lambda i: (i, 0)),
        out_shape=jax.ShapeDtypeStruct((N_LINES, 4 * emb_dim), jnp.float32),
    )


@functools.cache
def _build_lookup(n_rows, emb_dim, n_chunks_per_tile):
    nw = NC * NS
    lanes = 4 * emb_dim
    gps = 2
    sc_rows = gps * CHUNK
    olines = sc_rows // 4
    n_super = n_chunks_per_tile // gps
    mesh = plsc.VectorSubcoreMesh(core_axis_name="c", subcore_axis_name="s")

    @functools.partial(
        pl.kernel,
        mesh=mesh,
        out_type=jax.ShapeDtypeStruct((n_rows // 4, lanes), jnp.float32),
        scratch_types=[
            pltpu.VMEM((n_chunks_per_tile, CHUNK), jnp.int32),
            pltpu.VMEM((n_chunks_per_tile, CHUNK), jnp.int32),
            pltpu.VMEM((sc_rows, lanes), jnp.float32),
            pltpu.VMEM((sc_rows, lanes), jnp.float32),
            pltpu.VMEM((olines, lanes), jnp.float32),
            pltpu.VMEM((olines, lanes), jnp.float32),
            pltpu.SemaphoreType.DMA,
            pltpu.SemaphoreType.DMA,
            pltpu.SemaphoreType.DMA,
            pltpu.SemaphoreType.DMA,
        ],
        compiler_params=pltpu.CompilerParams(needs_layout_passes=False,
                                             use_tc_tiling_on_sc=False),
    )
    def body(idx_hbm, table_hbm, out_hbm, idx_v, line_v, win0, win1,
             ob0, ob1, sg0, sg1, so0, so1):
        wid = lax.axis_index("s") * NC + lax.axis_index("c")
        pltpu.sync_copy(
            idx_hbm.at[pl.ds(wid * n_chunks_per_tile, n_chunks_per_tile)],
            idx_v)

        lane = lax.iota(jnp.int32, 16)
        line_pat = lane // 4
        col_pat = 32 * (lane % 4)
        tile_base = wid * (n_chunks_per_tile * (CHUNK // 4))

        def prep(t, _):
            j, g = t // (CHUNK // 16), t % (CHUNK // 16)
            ii = idx_v[j, pl.ds(16 * g, 16)]
            line_v[j, pl.ds(16 * g, 16)] = ii & (N_LINES - 1)
            return 0

        lax.fori_loop(0, n_chunks_per_tile * (CHUNK // 16), prep, 0)

        def g_start(s, buf, sem):
            for u in range(gps):
                pltpu.make_async_copy(
                    table_hbm.at[line_v.at[gps * s + u]],
                    buf.at[pl.ds(u * CHUNK, CHUNK)], sem).start()

        def g_wait(s, buf, sem):
            for u in range(gps):
                pltpu.make_async_copy(
                    table_hbm.at[line_v.at[gps * s + u]],
                    buf.at[pl.ds(u * CHUNK, CHUNK)], sem).wait()

        def o_desc(s, buf, sem):
            return pltpu.make_async_copy(
                buf, out_hbm.at[pl.ds(tile_base + s * olines, olines)], sem)

        def select(s, win_v, out_v):
            def sel(g, _):
                j = gps * s + g // (CHUNK // 16)
                gg = g % (CHUNK // 16)
                ii = idx_v[j, pl.ds(16 * gg, 16)]
                col_base = 32 * (ii >> Q_SHIFT)
                rows = 16 * g + lane
                out_line = 4 * g + line_pat
                for c in range(32):
                    x = plsc.load_gather(win_v, [rows, col_base + c])
                    plsc.store_scatter(out_v, [out_line, col_pat + c], x)
                return 0

            lax.fori_loop(0, sc_rows // 16, sel, 0)

        n_half = n_super // 2
        g_start(0, win0, sg0)

        def step(jj, _):
            s0 = 2 * jj
            s1 = s0 + 1
            g_start(s1, win1, sg1)
            g_wait(s0, win0, sg0)
            select(s0, win0, ob0)

            @pl.when(jj > 0)
            def _():
                o_desc(s0 - 2, ob0, so0).wait()

            o_desc(s0, ob0, so0).start()

            @pl.when(jj < n_half - 1)
            def _():
                g_start(s0 + 2, win0, sg0)

            g_wait(s1, win1, sg1)
            select(s1, win1, ob1)

            @pl.when(jj > 0)
            def _():
                o_desc(s1 - 2, ob1, so1).wait()

            o_desc(s1, ob1, so1).start()
            return 0

        lax.fori_loop(0, n_half, step, 0)
        o_desc(n_super - 2, ob0, so0).wait()
        o_desc(n_super - 1, ob1, so1).wait()

    return body


def kernel(input, weight, weight_scale):
    batch, n_fields = input.shape
    n_rows = batch * n_fields
    n_emb, emb_dim = weight.shape
    nw = NC * NS
    n_chunks_per_tile = n_rows // (nw * CHUNK)

    idx = input.reshape(nw * n_chunks_per_tile, CHUNK)
    scale_tiled = jnp.tile(weight_scale, 4).reshape(1, 4 * emb_dim)
    w_pad = jnp.pad(weight, ((0, N_PAD - n_emb), (0, 0)))

    table_f32 = _build_dequant(emb_dim)(w_pad, w_pad, w_pad, w_pad,
                                        scale_tiled)
    out = _build_lookup(n_rows, emb_dim, n_chunks_per_tile)(idx, table_f32)
    return out.reshape(batch, n_fields, emb_dim)

# --- scband reference (transcript-rebuilt; emitter-appended) ---
"""Pipeline reference for scband-qembedding-45165876084881 (READ-ONLY COPY).

The authoritative reference and input builder live on the scoring server;
editing this copy changes nothing except your own understanding.
"""

import jax, jax.numpy as jnp
import numpy as np

NUM_EMBEDDINGS = 1000000
EMBEDDING_DIM = 32
BATCH = 16384
N_FIELDS = 26


def setup_inputs(seed: int = 0) -> dict:
    key = jax.random.key(seed)
    k1, k2, k3 = jax.random.split(key, 3)
    inp = jax.random.randint(k1, (BATCH, N_FIELDS), 0, NUM_EMBEDDINGS, dtype=jnp.int32)
    # int8 quantized embedding table (buffer in the torch module)
    weight = jax.random.randint(k2, (NUM_EMBEDDINGS, EMBEDDING_DIM), -128, 128, dtype=jnp.int8)
    # per-channel dequant scale (buffer in the torch module)
    weight_scale = jax.random.uniform(k3, (EMBEDDING_DIM,), dtype=jnp.float32, minval=0.001, maxval=0.05)
    return {"input": inp, "weight": weight, "weight_scale": weight_scale}


def reference(input, weight, weight_scale):
    # nn.functional.embedding(input, self.weight) -> gather rows of the int8 table
    embeddings = jnp.take(weight, input, axis=0)  # [B, F, D] int8
    # embeddings * self.weight_scale : int8 * float promotes to float (dequantize)
    return embeddings.astype(weight_scale.dtype) * weight_scale

if __name__ == "__main__":
    import jax
    _d = setup_inputs()
    print(jax.jit(kernel)(*tuple(_d.values())))

</pallas_src>

<mosaic_0001>
#map = affine_map<(d0, d1) -> (0, 0)>
module attributes {stable_mosaic.version = 14 : i64} {
  func.func @body(%arg0: i32, %arg1: i32, %arg2: memref<3328x128xi32, #tpu.memory_space<hbm>>, %arg3: memref<262144x128xf32, #tpu.memory_space<hbm>>, %arg4: memref<106496x128xf32, #tpu.memory_space<hbm>>, %arg5: memref<104x128xi32, #tpu.memory_space<vmem>>, %arg6: memref<104x128xi32, #tpu.memory_space<vmem>>, %arg7: memref<256x128xf32, #tpu.memory_space<vmem>>, %arg8: memref<256x128xf32, #tpu.memory_space<vmem>>, %arg9: memref<64x128xf32, #tpu.memory_space<vmem>>, %arg10: memref<64x128xf32, #tpu.memory_space<vmem>>, %arg11: memref<!tpu.dma_semaphore, #tpu.memory_space<semaphore_mem>>, %arg12: memref<!tpu.dma_semaphore, #tpu.memory_space<semaphore_mem>>, %arg13: memref<!tpu.dma_semaphore, #tpu.memory_space<semaphore_mem>>, %arg14: memref<!tpu.dma_semaphore, #tpu.memory_space<semaphore_mem>>) attributes {dimension_semantics = [#tpu.dimension_semantics<core_parallel>, #tpu.dimension_semantics<subcore_parallel>], iteration_bounds = array<i64: 2, 16>, scalar_prefetch = 0 : i64, scratch_operands = 10 : i64, tpu.core_type = #tpu.core_type<sc_vector_subcore>, window_params = [{transform_indices = #map}, {transform_indices = #map}, {transform_indices = #map}]} {
    %mul3A = arith.constant 2 : i32
    %mul3A_0 = arith.muli %arg1, %mul3A : i32
    %add3A = arith.addi %mul3A_0, %arg0 : i32
    %mul3A_1 = arith.constant 104 : i32
    %mul3A_2 = arith.muli %add3A, %mul3A_1 : i32
    "tpu.region"() ({
      %run_scoped3A = tpu.sem_alloc : memref<!tpu.dma_semaphore, #tpu.memory_space<semaphore_mem>>
      %dma_start3A_94 = arith.constant 0 : i32
      %dma_start3A_95 = tpu.memref_slice %arg2[%mul3A_2, %dma_start3A_94] : memref<3328x128xi32, #tpu.memory_space<hbm>> -> memref<104x128xi32, #tpu.memory_space<hbm>>
      %dma_start3A_96 = arith.constant 0 : i32
      %dma_start3A_97 = tpu.memref_slice %arg2[%mul3A_2, %dma_start3A_96] : memref<3328x128xi32, #tpu.memory_space<hbm>> -> memref<104x128xi32, #tpu.memory_space<hbm>>
      tpu.enqueue_dma source(%dma_start3A_97 : memref<104x128xi32, #tpu.memory_space<hbm>>) target(%arg5 : memref<104x128xi32, #tpu.memory_space<vmem>>) target_semaphore(%run_scoped3A : memref<!tpu.dma_semaphore, #tpu.memory_space<semaphore_mem>>)
      %dma_wait3A_98 = arith.constant 0 : i32
      %dma_wait3A_99 = tpu.memref_slice %arg2[%mul3A_2, %dma_wait3A_98] : memref<3328x128xi32, #tpu.memory_space<hbm>> -> memref<104x128xi32, #tpu.memory_space<hbm>>
      %dma_wait3A_100 = arith.constant 0 : i32
      %dma_wait3A_101 = tpu.memref_slice %arg2[%mul3A_2, %dma_wait3A_100] : memref<3328x128xi32, #tpu.memory_space<hbm>> -> memref<104x128xi32, #tpu.memory_space<hbm>>
      tpu.wait_dma2 semaphore(%run_scoped3A : memref<!tpu.dma_semaphore, #tpu.memory_space<semaphore_mem>>) src(%dma_wait3A_101 : memref<104x128xi32, #tpu.memory_space<hbm>>) dst(%arg5 : memref<104x128xi32, #tpu.memory_space<vmem>>)
      tpu.yield
    }) : () -> ()
    %iota3A = tpu.iota {dimensions = array<i32: 0>} : vector<16xi32>
    %jit3A = arith.constant 4 : i32
    %div3A = vector.broadcast %jit3A : i32 to vector<16xi32>
    %div3A_3 = arith.divsi %iota3A, %div3A : vector<16xi32>
    %sign3A = arith.constant 0 : i32
    %sign3A_4 = vector.broadcast %sign3A : i32 to vector<16xi32>
    %sign3A_5 = arith.cmpi sgt, %iota3A, %sign3A_4 : vector<16xi32>
    %sign3A_6 = arith.extui %sign3A_5 : vector<16xi1> to vector<16xi32>
    %sign3A_7 = arith.constant 0 : i32
    %sign3A_8 = vector.broadcast %sign3A_7 : i32 to vector<16xi32>
    %sign3A_9 = arith.cmpi slt, %iota3A, %sign3A_8 : vector<16xi32>
    %sign3A_10 = arith.extui %sign3A_9 : vector<16xi1> to vector<16xi32>
    %sign3A_11 = arith.subi %sign3A_6, %sign3A_10 : vector<16xi32>
    %sign3A_12 = arith.constant 0 : i32
    %sign3A_13 = arith.cmpi sgt, %jit3A, %sign3A_12 : i32
    %sign3A_14 = arith.extui %sign3A_13 : i1 to i32
    %sign3A_15 = arith.constant 0 : i32
    %sign3A_16 = arith.cmpi slt, %jit3A, %sign3A_15 : i32
    %sign3A_17 = arith.extui %sign3A_16 : i1 to i32
    %sign3A_18 = arith.subi %sign3A_14, %sign3A_17 : i32
    %ne3A = vector.broadcast %sign3A_18 : i32 to vector<16xi32>
    %ne3A_19 = arith.cmpi ne, %sign3A_11, %ne3A : vector<16xi32>
    %rem3A = vector.broadcast %jit3A : i32 to vector<16xi32>
    %rem3A_20 = arith.remsi %iota3A, %rem3A : vector<16xi32>
    %ne3A_21 = arith.constant 0 : i32
    %ne3A_22 = vector.broadcast %ne3A_21 : i32 to vector<16xi32>
    %ne3A_23 = arith.cmpi ne, %rem3A_20, %ne3A_22 : vector<16xi32>
    %and3A = arith.andi %ne3A_19, %ne3A_23 : vector<16xi1>
    %sub3A = arith.constant 1 : i32
    %sub3A_24 = vector.broadcast %sub3A : i32 to vector<16xi32>
    %sub3A_25 = arith.subi %div3A_3, %sub3A_24 : vector<16xi32>
    %select_n3A = arith.select %and3A, %sub3A_25, %div3A_3 : vector<16xi1>, vector<16xi32>
    %jit3A_26 = arith.constant 4 : i32
    %eq3A = arith.constant 0 : i32
    %eq3A_27 = arith.cmpi eq, %jit3A_26, %eq3A : i32
    %jit3A_28 = arith.constant 1 : i32
    %select_n3A_29 = arith.select %eq3A_27, %jit3A_28, %jit3A_26 : i32
    %rem3A_30 = vector.broadcast %select_n3A_29 : i32 to vector<16xi32>
    %rem3A_31 = arith.remsi %iota3A, %rem3A_30 : vector<16xi32>
    %ne3A_32 = arith.constant 0 : i32
    %ne3A_33 = vector.broadcast %ne3A_32 : i32 to vector<16xi32>
    %ne3A_34 = arith.cmpi ne, %rem3A_31, %ne3A_33 : vector<16xi32>
    %lt3A = arith.constant 0 : i32
    %lt3A_35 = vector.broadcast %lt3A : i32 to vector<16xi32>
    %lt3A_36 = arith.cmpi slt, %rem3A_31, %lt3A_35 : vector<16xi32>
    %lt3A_37 = arith.constant 0 : i32
    %lt3A_38 = arith.cmpi slt, %select_n3A_29, %lt3A_37 : i32
    %ne3A_39 = vector.broadcast %lt3A_38 : i1 to vector<16xi1>
    %ne3A_40 = vector.broadcast %ne3A_39 : vector<16xi1> to vector<16xi1>
    %ne3A_41 = arith.xori %lt3A_36, %ne3A_40 : vector<16xi1>
    %and3A_42 = arith.andi %ne3A_41, %ne3A_34 : vector<16xi1>
    %add3A_43 = vector.broadcast %select_n3A_29 : i32 to vector<16xi32>
    %add3A_44 = arith.addi %rem3A_31, %add3A_43 : vector<16xi32>
    %select_n3A_45 = arith.select %and3A_42, %add3A_44, %rem3A_31 : vector<16xi1>, vector<16xi32>
    %mul3A_46 = arith.constant 32 : i32
    %mul3A_47 = vector.broadcast %mul3A_46 : i32 to vector<16xi32>
    %mul3A_48 = arith.muli %mul3A_47, %select_n3A_45 : vector<16xi32>
    %mul3A_49 = arith.constant 3328 : i32
    %mul3A_50 = arith.muli %add3A, %mul3A_49 : i32
    %scan3A = arith.constant 0 : i32
    %scan3A_51 = arith.constant 0 : i32
    %scan3A_52 = arith.constant 832 : i32
    %scan3A_53 = arith.addi %scan3A_51, %scan3A_52 : i32
    %scan3A_54 = arith.constant 1 : i32
    %scan3A_55 = scf.for %scan3A_94 = %scan3A_51 to %scan3A_53 step %scan3A_54 iter_args(%scan3A_95 = %scan3A) -> (i32)  : i32 {
      %jit3A_96 = arith.constant 8 : i32
      %div3A_97 = arith.divsi %scan3A_94, %jit3A_96 : i32
      %sign3A_98 = arith.constant 0 : i32
      %sign3A_99 = arith.cmpi sgt, %scan3A_94, %sign3A_98 : i32
      %sign3A_100 = arith.extui %sign3A_99 : i1 to i32
      %sign3A_101 = arith.constant 0 : i32
      %sign3A_102 = arith.cmpi slt, %scan3A_94, %sign3A_101 : i32
      %sign3A_103 = arith.extui %sign3A_102 : i1 to i32
      %sign3A_104 = arith.subi %sign3A_100, %sign3A_103 : i32
      %sign3A_105 = arith.constant 0 : i32
      %sign3A_106 = arith.cmpi sgt, %jit3A_96, %sign3A_105 : i32
      %sign3A_107 = arith.extui %sign3A_106 : i1 to i32
      %sign3A_108 = arith.constant 0 : i32
      %sign3A_109 = arith.cmpi slt, %jit3A_96, %sign3A_108 : i32
      %sign3A_110 = arith.extui %sign3A_109 : i1 to i32
      %sign3A_111 = arith.subi %sign3A_107, %sign3A_110 : i32
      %ne3A_112 = arith.cmpi ne, %sign3A_104, %sign3A_111 : i32
      %rem3A_113 = arith.remsi %scan3A_94, %jit3A_96 : i32
      %ne3A_114 = arith.constant 0 : i32
      %ne3A_115 = arith.cmpi ne, %rem3A_113, %ne3A_114 : i32
      %and3A_116 = arith.andi %ne3A_112, %ne3A_115 : i1
      %sub3A_117 = arith.constant 1 : i32
      %sub3A_118 = arith.subi %div3A_97, %sub3A_117 : i32
      %select_n3A_119 = arith.select %and3A_116, %sub3A_118, %div3A_97 : i32
      %jit3A_120 = arith.constant 8 : i32
      %eq3A_121 = arith.constant 0 : i32
      %eq3A_122 = arith.cmpi eq, %jit3A_120, %eq3A_121 : i32
      %jit3A_123 = arith.constant 1 : i32
      %select_n3A_124 = arith.select %eq3A_122, %jit3A_123, %jit3A_120 : i32
      %rem3A_125 = arith.remsi %scan3A_94, %select_n3A_124 : i32
      %ne3A_126 = arith.constant 0 : i32
      %ne3A_127 = arith.cmpi ne, %rem3A_125, %ne3A_126 : i32
      %lt3A_128 = arith.constant 0 : i32
      %lt3A_129 = arith.cmpi slt, %rem3A_125, %lt3A_128 : i32
      %lt3A_130 = arith.constant 0 : i32
      %lt3A_131 = arith.cmpi slt, %select_n3A_124, %lt3A_130 : i32
      %ne3A_132 = arith.xori %lt3A_129, %lt3A_131 : i1
      %and3A_133 = arith.andi %ne3A_132, %ne3A_127 : i1
      %add3A_134 = arith.addi %rem3A_125, %select_n3A_124 : i32
      %select_n3A_135 = arith.select %and3A_133, %add3A_134, %rem3A_125 : i32
      %mul3A_136 = arith.constant 16 : i32
      %mul3A_137 = arith.muli %mul3A_136, %select_n3A_135 : i32
      %get3A = arith.index_cast %select_n3A_119 : i32 to index
      %get3A_138 = arith.index_cast %mul3A_137 : i32 to index
      %get3A_139 = tpu.vector_load %arg5[%get3A, %get3A_138] {strides = array<i32>} : memref<104x128xi32, #tpu.memory_space<vmem>>, vector<16xi32>,
      %and3A_140 = arith.constant 262143 : i32
      %and3A_141 = vector.broadcast %and3A_140 : i32 to vector<16xi32>
      %and3A_142 = arith.andi %get3A_139, %and3A_141 : vector<16xi32>
      %mul3A_143 = arith.constant 16 : i32
      %mul3A_144 = arith.muli %mul3A_143, %select_n3A_135 : i32
      %swap3A = arith.index_cast %select_n3A_119 : i32 to index
      %swap3A_145 = arith.index_cast %mul3A_144 : i32 to index
      %swap3A_146 = tpu.vector_load %arg6[%swap3A, %swap3A_145] {strides = array<i32>} : memref<104x128xi32, #tpu.memory_space<vmem>>, vector<16xi32>,
      tpu.vector_store %arg6[%swap3A, %swap3A_145], %and3A_142 {strides = array<i32>} : memref<104x128xi32, #tpu.memory_space<vmem>>, vector<16xi32>,
      %scan3A_147 = arith.constant 0 : i32
      scf.yield %scan3A_147 : i32
    }
    %scan3A_56 = arith.constant 832 : i32
    %dma_start3A = arith.constant 0 : i32
    %dma_start3A_57 = arith.constant 0 : i32
    %dma_start3A_58 = arith.constant 0 : i32
    %dma_start3A_59 = tpu.memref_slice %arg7[%dma_start3A_57, %dma_start3A_58] : memref<256x128xf32, #tpu.memory_space<vmem>> -> memref<128x128xf32, #tpu.memory_space<vmem>>
    %dma_start3A_60 = arith.constant 0 : i32
    %dma_start3A_61 = tpu.memref_slice %arg6[%dma_start3A, %dma_start3A_60] : memref<104x128xi32, #tpu.memory_space<vmem>> -> memref<1x128xi32, #tpu.memory_space<vmem>>
    %dma_start3A_62 = tpu.memref_squeeze %dma_start3A_61 : memref<1x128xi32, #tpu.memory_space<vmem>> -> memref<128xi32, #tpu.memory_space<vmem>>
    %dma_start3A_63 = arith.constant 0 : i32
    %dma_start3A_64 = arith.constant 0 : i32
    %dma_start3A_65 = tpu.memref_slice %arg3[%dma_start3A_63, %dma_start3A_64] : memref<262144x128xf32, #tpu.memory_space<hbm>> -> memref<262144x128xf32, #tpu.memory_space<hbm>>
    tpu.enqueue_indirect_dma source(%dma_start3A_65 : memref<262144x128xf32, #tpu.memory_space<hbm>>) target(%dma_start3A_59 : memref<128x128xf32, #tpu.memory_space<vmem>>) offsets(%dma_start3A_62 : memref<128xi32, #tpu.memory_space<vmem>>) semaphore(%arg11 : memref<!tpu.dma_semaphore, #tpu.memory_space<semaphore_mem>>)
    %dma_start3A_66 = arith.constant 1 : i32
    %dma_start3A_67 = arith.constant 128 : i32
    %dma_start3A_68 = arith.constant 0 : i32
    %dma_start3A_69 = tpu.memref_slice %arg7[%dma_start3A_67, %dma_start3A_68] : memref<256x128xf32, #tpu.memory_space<vmem>> -> memref<128x128xf32, #tpu.memory_space<vmem>>
    %dma_start3A_70 = arith.constant 0 : i32
    %dma_start3A_71 = tpu.memref_slice %arg6[%dma_start3A_66, %dma_start3A_70] : memref<104x128xi32, #tpu.memory_space<vmem>> -> memref<1x128xi32, #tpu.memory_space<vmem>>
    %dma_start3A_72 = tpu.memref_squeeze %dma_start3A_71 : memref<1x128xi32, #tpu.memory_space<vmem>> -> memref<128xi32, #tpu.memory_space<vmem>>
    %dma_start3A_73 = arith.constant 0 : i32
    %dma_start3A_74 = arith.constant 0 : i32
    %dma_start3A_75 = tpu.memref_slice %arg3[%dma_start3A_73, %dma_start3A_74] : memref<262144x128xf32, #tpu.memory_space<hbm>> -> memref<262144x128xf32, #tpu.memory_space<hbm>>
    tpu.enqueue_indirect_dma source(%dma_start3A_75 : memref<262144x128xf32, #tpu.memory_space<hbm>>) target(%dma_start3A_69 : memref<128x128xf32, #tpu.memory_space<vmem>>) offsets(%dma_start3A_72 : memref<128xi32, #tpu.memory_space<vmem>>) semaphore(%arg11 : memref<!tpu.dma_semaphore, #tpu.memory_space<semaphore_mem>>)
    %scan3A_76 = arith.constant 0 : i32
    %scan3A_77 = arith.constant 0 : i32
    %scan3A_78 = arith.constant 26 : i32
    %scan3A_79 = arith.addi %scan3A_77, %scan3A_78 : i32
    %scan3A_80 = arith.constant 1 : i32
    %scan3A_81 = scf.for %scan3A_94 = %scan3A_77 to %scan3A_79 step %scan3A_80 iter_args(%scan3A_95 = %scan3A_76) -> (i32)  : i32 {
      %mul3A_96 = arith.constant 2 : i32
      %mul3A_97 = arith.muli %mul3A_96, %scan3A_94 : i32
      %add3A_98 = arith.constant 1 : i32
      %add3A_99 = arith.addi %mul3A_97, %add3A_98 : i32
      %mul3A_100 = arith.constant 2 : i32
      %mul3A_101 = arith.muli %mul3A_100, %add3A_99 : i32
      %add3A_102 = arith.constant 0 : i32
      %add3A_103 = arith.addi %mul3A_101, %add3A_102 : i32
      %dma_start3A_104 = arith.constant 0 : i32
      %dma_start3A_105 = arith.constant 0 : i32
      %dma_start3A_106 = tpu.memref_slice %arg8[%dma_start3A_104, %dma_start3A_105] : memref<256x128xf32, #tpu.memory_space<vmem>> -> memref<128x128xf32, #tpu.memory_space<vmem>>
      %dma_start3A_107 = arith.constant 0 : i32
      %dma_start3A_108 = tpu.memref_slice %arg6[%add3A_103, %dma_start3A_107] : memref<104x128xi32, #tpu.memory_space<vmem>> -> memref<1x128xi32, #tpu.memory_space<vmem>>
      %dma_start3A_109 = tpu.memref_squeeze %dma_start3A_108 : memref<1x128xi32, #tpu.memory_space<vmem>> -> memref<128xi32, #tpu.memory_space<vmem>>
      %dma_start3A_110 = arith.constant 0 : i32
      %dma_start3A_111 = arith.constant 0 : i32
      %dma_start3A_112 = tpu.memref_slice %arg3[%dma_start3A_110, %dma_start3A_111] : memref<262144x128xf32, #tpu.memory_space<hbm>> -> memref<262144x128xf32, #tpu.memory_space<hbm>>
      tpu.enqueue_indirect_dma source(%dma_start3A_112 : memref<262144x128xf32, #tpu.memory_space<hbm>>) target(%dma_start3A_106 : memref<128x128xf32, #tpu.memory_space<vmem>>) offsets(%dma_start3A_109 : memref<128xi32, #tpu.memory_space<vmem>>) semaphore(%arg12 : memref<!tpu.dma_semaphore, #tpu.memory_space<semaphore_mem>>)
      %mul3A_113 = arith.constant 2 : i32
      %mul3A_114 = arith.muli %mul3A_113, %add3A_99 : i32
      %add3A_115 = arith.constant 1 : i32
      %add3A_116 = arith.addi %mul3A_114, %add3A_115 : i32
      %dma_start3A_117 = arith.constant 128 : i32
      %dma_start3A_118 = arith.constant 0 : i32
      %dma_start3A_119 = tpu.memref_slice %arg8[%dma_start3A_117, %dma_start3A_118] : memref<256x128xf32, #tpu.memory_space<vmem>> -> memref<128x128xf32, #tpu.memory_space<vmem>>
      %dma_start3A_120 = arith.constant 0 : i32
      %dma_start3A_121 = tpu.memref_slice %arg6[%add3A_116, %dma_start3A_120] : memref<104x128xi32, #tpu.memory_space<vmem>> -> memref<1x128xi32, #tpu.memory_space<vmem>>
      %dma_start3A_122 = tpu.memref_squeeze %dma_start3A_121 : memref<1x128xi32, #tpu.memory_space<vmem>> -> memref<128xi32, #tpu.memory_space<vmem>>
      %dma_start3A_123 = arith.constant 0 : i32
      %dma_start3A_124 = arith.constant 0 : i32
      %dma_start3A_125 = tpu.memref_slice %arg3[%dma_start3A_123, %dma_start3A_124] : memref<262144x128xf32, #tpu.memory_space<hbm>> -> memref<262144x128xf32, #tpu.memory_space<hbm>>
      tpu.enqueue_indirect_dma source(%dma_start3A_125 : memref<262144x128xf32, #tpu.memory_space<hbm>>) target(%dma_start3A_119 : memref<128x128xf32, #tpu.memory_space<vmem>>) offsets(%dma_start3A_122 : memref<128xi32, #tpu.memory_space<vmem>>) semaphore(%arg12 : memref<!tpu.dma_semaphore, #tpu.memory_space<semaphore_mem>>)
      %mul3A_126 = arith.constant 2 : i32
      %mul3A_127 = arith.muli %mul3A_126, %mul3A_97 : i32
      %add3A_128 = arith.constant 0 : i32
      %add3A_129 = arith.addi %mul3A_127, %add3A_128 : i32
      %dma_wait3A_130 = arith.constant 0 : i32
      %dma_wait3A_131 = arith.constant 0 : i32
      %dma_wait3A_132 = tpu.memref_slice %arg7[%dma_wait3A_130, %dma_wait3A_131] : memref<256x128xf32, #tpu.memory_space<vmem>> -> memref<128x128xf32, #tpu.memory_space<vmem>>
      %dma_wait3A_133 = arith.constant 0 : i32
      %dma_wait3A_134 = tpu.memref_slice %arg6[%add3A_129, %dma_wait3A_133] : memref<104x128xi32, #tpu.memory_space<vmem>> -> memref<1x128xi32, #tpu.memory_space<vmem>>
      %dma_wait3A_135 = tpu.memref_squeeze %dma_wait3A_134 : memref<1x128xi32, #tpu.memory_space<vmem>> -> memref<128xi32, #tpu.memory_space<vmem>>
      %dma_wait3A_136 = arith.constant 0 : i32
      %dma_wait3A_137 = arith.constant 0 : i32
      %dma_wait3A_138 = tpu.memref_slice %arg3[%dma_wait3A_136, %dma_wait3A_137] : memref<262144x128xf32, #tpu.memory_space<hbm>> -> memref<262144x128xf32, #tpu.memory_space<hbm>>
      tpu.wait_indirect_dma semaphore(%arg11 : memref<!tpu.dma_semaphore, #tpu.memory_space<semaphore_mem>>) src(%dma_wait3A_138 : memref<262144x128xf32, #tpu.memory_space<hbm>>) dst(%dma_wait3A_132 : memref<128x128xf32, #tpu.memory_space<vmem>>)
      %mul3A_139 = arith.constant 2 : i32
      %mul3A_140 = arith.muli %mul3A_139, %mul3A_97 : i32
      %add3A_141 = arith.constant 1 : i32
      %add3A_142 = arith.addi %mul3A_140, %add3A_141 : i32
      %dma_wait3A_143 = arith.constant 128 : i32
      %dma_wait3A_144 = arith.constant 0 : i32
      %dma_wait3A_145 = tpu.memref_slice %arg7[%dma_wait3A_143, %dma_wait3A_144] : memref<256x128xf32, #tpu.memory_space<vmem>> -> memref<128x128xf32, #tpu.memory_space<vmem>>
      %dma_wait3A_146 = arith.constant 0 : i32
      %dma_wait3A_147 = tpu.memref_slice %arg6[%add3A_142, %dma_wait3A_146] : memref<104x128xi32, #tpu.memory_space<vmem>> -> memref<1x128xi32, #tpu.memory_space<vmem>>
      %dma_wait3A_148 = tpu.memref_squeeze %dma_wait3A_147 : memref<1x128xi32, #tpu.memory_space<vmem>> -> memref<128xi32, #tpu.memory_space<vmem>>
      %dma_wait3A_149 = arith.constant 0 : i32
      %dma_wait3A_150 = arith.constant 0 : i32
      %dma_wait3A_151 = tpu.memref_slice %arg3[%dma_wait3A_149, %dma_wait3A_150] : memref<262144x128xf32, #tpu.memory_space<hbm>> -> memref<262144x128xf32, #tpu.memory_space<hbm>>
      tpu.wait_indirect_dma semaphore(%arg11 : memref<!tpu.dma_semaphore, #tpu.memory_space<semaphore_mem>>) src(%dma_wait3A_151 : memref<262144x128xf32, #tpu.memory_space<hbm>>) dst(%dma_wait3A_145 : memref<128x128xf32, #tpu.memory_space<vmem>>)
      %scan3A_152 = arith.constant 0 : i32
      %scan3A_153 = arith.constant 0 : i32
      %scan3A_154 = arith.constant 16 : i32
      %scan3A_155 = arith.addi %scan3A_153, %scan3A_154 : i32
      %scan3A_156 = arith.constant 1 : i32
      %scan3A_157 = scf.for %scan3A_219 = %scan3A_153 to %scan3A_155 step %scan3A_156 iter_args(%scan3A_220 = %scan3A_152) -> (i32)  : i32 {
        %mul3A_221 = arith.constant 2 : i32
        %mul3A_222 = arith.muli %mul3A_221, %mul3A_97 : i32
        %jit3A_223 = arith.constant 8 : i32
        %div3A_224 = arith.divsi %scan3A_219, %jit3A_223 : i32
        %sign3A_225 = arith.constant 0 : i32
        %sign3A_226 = arith.cmpi sgt, %scan3A_219, %sign3A_225 : i32
        %sign3A_227 = arith.extui %sign3A_226 : i1 to i32
        %sign3A_228 = arith.constant 0 : i32
        %sign3A_229 = arith.cmpi slt, %scan3A_219, %sign3A_228 : i32
        %sign3A_230 = arith.extui %sign3A_229 : i1 to i32
        %sign3A_231 = arith.subi %sign3A_227, %sign3A_230 : i32
        %sign3A_232 = arith.constant 0 : i32
        %sign3A_233 = arith.cmpi sgt, %jit3A_223, %sign3A_232 : i32
        %sign3A_234 = arith.extui %sign3A_233 : i1 to i32
        %sign3A_235 = arith.constant 0 : i32
        %sign3A_236 = arith.cmpi slt, %jit3A_223, %sign3A_235 : i32
        %sign3A_237 = arith.extui %sign3A_236 : i1 to i32
        %sign3A_238 = arith.subi %sign3A_234, %sign3A_237 : i32
        %ne3A_239 = arith.cmpi ne, %sign3A_231, %sign3A_238 : i32
        %rem3A_240 = arith.remsi %scan3A_219, %jit3A_223 : i32
        %ne3A_241 = arith.constant 0 : i32
        %ne3A_242 = arith.cmpi ne, %rem3A_240, %ne3A_241 : i32
        %and3A_243 = arith.andi %ne3A_239, %ne3A_242 : i1
        %sub3A_244 = arith.constant 1 : i32
        %sub3A_245 = arith.subi %div3A_224, %sub3A_244 : i32
        %select_n3A_246 = arith.select %and3A_243, %sub3A_245, %div3A_224 : i32
        %add3A_247 = arith.addi %mul3A_222, %select_n3A_246 : i32
        %jit3A_248 = arith.constant 8 : i32
        %eq3A_249 = arith.constant 0 : i32
        %eq3A_250 = arith.cmpi eq, %jit3A_248, %eq3A_249 : i32
        %jit3A_251 = arith.constant 1 : i32
        %select_n3A_252 = arith.select %eq3A_250, %jit3A_251, %jit3A_248 : i32
        %rem3A_253 = arith.remsi %scan3A_219, %select_n3A_252 : i32
        %ne3A_254 = arith.constant 0 : i32
        %ne3A_255 = arith.cmpi ne, %rem3A_253, %ne3A_254 : i32
        %lt3A_256 = arith.constant 0 : i32
        %lt3A_257 = arith.cmpi slt, %rem3A_253, %lt3A_256 : i32
        %lt3A_258 = arith.constant 0 : i32
        %lt3A_259 = arith.cmpi slt, %select_n3A_252, %lt3A_258 : i32
        %ne3A_260 = arith.xori %lt3A_257, %lt3A_259 : i1
        %and3A_261 = arith.andi %ne3A_260, %ne3A_255 : i1
        %add3A_262 = arith.addi %rem3A_253, %select_n3A_252 : i32
        %select_n3A_263 = arith.select %and3A_261, %add3A_262, %rem3A_253 : i32
        %mul3A_264 = arith.constant 16 : i32
        %mul3A_265 = arith.muli %mul3A_264, %select_n3A_263 : i32
        %get3A = arith.index_cast %add3A_247 : i32 to index
        %get3A_266 = arith.index_cast %mul3A_265 : i32 to index
        %get3A_267 = tpu.vector_load %arg5[%get3A, %get3A_266] {strides = array<i32>} : memref<104x128xi32, #tpu.memory_space<vmem>>, vector<16xi32>,
        %shift_right_arithmetic3A = arith.constant 18 : i32
        %shift_right_arithmetic3A_268 = vector.broadcast %shift_right_arithmetic3A : i32 to vector<16xi32>
        %shift_right_arithmetic3A_269 = arith.shrsi %get3A_267, %shift_right_arithmetic3A_268 : vector<16xi32>
        %mul3A_270 = arith.constant 32 : i32
        %mul3A_271 = vector.broadcast %mul3A_270 : i32 to vector<16xi32>
        %mul3A_272 = arith.muli %mul3A_271, %shift_right_arithmetic3A_269 : vector<16xi32>
        %mul3A_273 = arith.constant 16 : i32
        %mul3A_274 = arith.muli %mul3A_273, %scan3A_219 : i32
        %add3A_275 = vector.broadcast %mul3A_274 : i32 to vector<16xi32>
        %add3A_276 = arith.addi %add3A_275, %iota3A : vector<16xi32>
        %mul3A_277 = arith.constant 4 : i32
        %mul3A_278 = arith.muli %mul3A_277, %scan3A_219 : i32
        %add3A_279 = vector.broadcast %mul3A_278 : i32 to vector<16xi32>
        %add3A_280 = arith.addi %add3A_279, %select_n3A : vector<16xi32>
        %add3A_281 = arith.constant 0 : i32
        %add3A_282 = vector.broadcast %add3A_281 : i32 to vector<16xi32>
        %add3A_283 = arith.addi %mul3A_272, %add3A_282 : vector<16xi32>
        %gather3A = tpu.vector_load_idx %arg7[%add3A_276, %add3A_283] : memref<256x128xf32, #tpu.memory_space<vmem>>[vector<16xi32>, vector<16xi32>], vector<16xf32>,
        %add3A_284 = arith.constant 0 : i32
        %add3A_285 = vector.broadcast %add3A_284 : i32 to vector<16xi32>
        %add3A_286 = arith.addi %mul3A_48, %add3A_285 : vector<16xi32>
        tpu.vector_store_idx %arg9[%add3A_280, %add3A_286], %gather3A : memref<64x128xf32, #tpu.memory_space<vmem>>[vector<16xi32>, vector<16xi32>], vector<16xf32>,
        %add3A_287 = arith.constant 1 : i32
        %add3A_288 = vector.broadcast %add3A_287 : i32 to vector<16xi32>
        %add3A_289 = arith.addi %mul3A_272, %add3A_288 : vector<16xi32>
        %gather3A_290 = tpu.vector_load_idx %arg7[%add3A_276, %add3A_289] : memref<256x128xf32, #tpu.memory_space<vmem>>[vector<16xi32>, vector<16xi32>], vector<16xf32>,
        %add3A_291 = arith.constant 1 : i32
        %add3A_292 = vector.broadcast %add3A_291 : i32 to vector<16xi32>
        %add3A_293 = arith.addi %mul3A_48, %add3A_292 : vector<16xi32>
        tpu.vector_store_idx %arg9[%add3A_280, %add3A_293], %gather3A_290 : memref<64x128xf32, #tpu.memory_space<vmem>>[vector<16xi32>, vector<16xi32>], vector<16xf32>,
        %add3A_294 = arith.constant 2 : i32
        %add3A_295 = vector.broadcast %add3A_294 : i32 to vector<16xi32>
        %add3A_296 = arith.addi %mul3A_272, %add3A_295 : vector<16xi32>
        %gather3A_297 = tpu.vector_load_idx %arg7[%add3A_276, %add3A_296] : memref<256x128xf32, #tpu.memory_space<vmem>>[vector<16xi32>, vector<16xi32>], vector<16xf32>,
        %add3A_298 = arith.constant 2 : i32
        %add3A_299 = vector.broadcast %add3A_298 : i32 to vector<16xi32>
        %add3A_300 = arith.addi %mul3A_48, %add3A_299 : vector<16xi32>
        tpu.vector_store_idx %arg9[%add3A_280, %add3A_300], %gather3A_297 : memref<64x128xf32, #tpu.memory_space<vmem>>[vector<16xi32>, vector<16xi32>], vector<16xf32>,
        %add3A_301 = arith.constant 3 : i32
        %add3A_302 = vector.broadcast %add3A_301 : i32 to vector<16xi32>
        %add3A_303 = arith.addi %mul3A_272, %add3A_302 : vector<16xi32>
        %gather3A_304 = tpu.vector_load_idx %arg7[%add3A_276, %add3A_303] : memref<256x128xf32, #tpu.memory_space<vmem>>[vector<16xi32>, vector<16xi32>], vector<16xf32>,
        %add3A_305 = arith.constant 3 : i32
        %add3A_306 = vector.broadcast %add3A_305 : i32 to vector<16xi32>
        %add3A_307 = arith.addi %mul3A_48, %add3A_306 : vector<16xi32>
        tpu.vector_store_idx %arg9[%add3A_280, %add3A_307], %gather3A_304 : memref<64x128xf32, #tpu.memory_space<vmem>>[vector<16xi32>, vector<16xi32>], vector<16xf32>,
        %add3A_308 = arith.constant 4 : i32
        %add3A_309 = vector.broadcast %add3A_308 : i32 to vector<16xi32>
        %add3A_310 = arith.addi %mul3A_272, %add3A_309 : vector<16xi32>
        %gather3A_311 = tpu.vector_load_idx %arg7[%add3A_276, %add3A_310] : memref<256x128xf32, #tpu.memory_space<vmem>>[vector<16xi32>, vector<16xi32>], vector<16xf32>,
        %add3A_312 = arith.constant 4 : i32
        %add3A_313 = vector.broadcast %add3A_312 : i32 to vector<16xi32>
        %add3A_314 = arith.addi %mul3A_48, %add3A_313 : vector<16xi32>
        tpu.vector_store_idx %arg9[%add3A_280, %add3A_314], %gather3A_311 : memref<64x128xf32, #tpu.memory_space<vmem>>[vector<16xi32>, vector<16xi32>], vector<16xf32>,
        %add3A_315 = arith.constant 5 : i32
        %add3A_316 = vector.broadcast %add3A_315 : i32 to vector<16xi32>
        %add3A_317 = arith.addi %mul3A_272, %add3A_316 : vector<16xi32>
        %gather3A_318 = tpu.vector_load_idx %arg7[%add3A_276, %add3A_317] : memref<256x128xf32, #tpu.memory_space<vmem>>[vector<16xi32>, vector<16xi32>], vector<16xf32>,
        %add3A_319 = arith.constant 5 : i32
        %add3A_320 = vector.broadcast %add3A_319 : i32 to vector<16xi32>
        %add3A_321 = arith.addi %mul3A_48, %add3A_320 : vector<16xi32>
        tpu.vector_store_idx %arg9[%add3A_280, %add3A_321], %gather3A_318 : memref<64x128xf32, #tpu.memory_space<vmem>>[vector<16xi32>, vector<16xi32>], vector<16xf32>,
        %add3A_322 = arith.constant 6 : i32
        %add3A_323 = vector.broadcast %add3A_322 : i32 to vector<16xi32>
        %add3A_324 = arith.addi %mul3A_272, %add3A_323 : vector<16xi32>
        %gather3A_325 = tpu.vector_load_idx %arg7[%add3A_276, %add3A_324] : memref<256x128xf32, #tpu.memory_space<vmem>>[vector<16xi32>, vector<16xi32>], vector<16xf32>,
        %add3A_326 = arith.constant 6 : i32
        %add3A_327 = vector.broadcast %add3A_326 : i32 to vector<16xi32>
        %add3A_328 = arith.addi %mul3A_48, %add3A_327 : vector<16xi32>
        tpu.vector_store_idx %arg9[%add3A_280, %add3A_328], %gather3A_325 : memref<64x128xf32, #tpu.memory_space<vmem>>[vector<16xi32>, vector<16xi32>], vector<16xf32>,
        %add3A_329 = arith.constant 7 : i32
        %add3A_330 = vector.broadcast %add3A_329 : i32 to vector<16xi32>
        %add3A_331 = arith.addi %mul3A_272, %add3A_330 : vector<16xi32>
        %gather3A_332 = tpu.vector_load_idx %arg7[%add3A_276, %add3A_331] : memref<256x128xf32, #tpu.memory_space<vmem>>[vector<16xi32>, vector<16xi32>], vector<16xf32>,
        %add3A_333 = arith.constant 7 : i32
        %add3A_334 = vector.broadcast %add3A_333 : i32 to vector<16xi32>
        %add3A_335 = arith.addi %mul3A_48, %add3A_334 : vector<16xi32>
        tpu.vector_store_idx %arg9[%add3A_280, %add3A_335], %gather3A_332 : memref<64x128xf32, #tpu.memory_space<vmem>>[vector<16xi32>, vector<16xi32>], vector<16xf32>,
        %add3A_336 = arith.constant 8 : i32
        %add3A_337 = vector.broadcast %add3A_336 : i32 to vector<16xi32>
        %add3A_338 = arith.addi %mul3A_272, %add3A_337 : vector<16xi32>
        %gather3A_339 = tpu.vector_load_idx %arg7[%add3A_276, %add3A_338] : memref<256x128xf32, #tpu.memory_space<vmem>>[vector<16xi32>, vector<16xi32>], vector<16xf32>,
        %add3A_340 = arith.constant 8 : i32
        %add3A_341 = vector.broadcast %add3A_340 : i32 to vector<16xi32>
        %add3A_342 = arith.addi %mul3A_48, %add3A_341 : vector<16xi32>
        tpu.vector_store_idx %arg9[%add3A_280, %add3A_342], %gather3A_339 : memref<64x128xf32, #tpu.memory_space<vmem>>[vector<16xi32>, vector<16xi32>], vector<16xf32>,
        %add3A_343 = arith.constant 9 : i32
        %add3A_344 = vector.broadcast %add3A_343 : i32 to vector<16xi32>
        %add3A_345 = arith.addi %mul3A_272, %add3A_344 : vector<16xi32>
        %gather3A_346 = tpu.vector_load_idx %arg7[%add3A_276, %add3A_345] : memref<256x128xf32, #tpu.memory_space<vmem>>[vector<16xi32>, vector<16xi32>], vector<16xf32>,
        %add3A_347 = arith.constant 9 : i32
        %add3A_348 = vector.broadcast %add3A_347 : i32 to vector<16xi32>
        %add3A_349 = arith.addi %mul3A_48, %add3A_348 : vector<16xi32>
        tpu.vector_store_idx %arg9[%add3A_280, %add3A_349], %gather3A_346 : memref<64x128xf32, #tpu.memory_space<vmem>>[vector<16xi32>, vector<16xi32>], vector<16xf32>,
        %add3A_350 = arith.constant 10 : i32
        %add3A_351 = vector.broadcast %add3A_350 : i32 to vector<16xi32>
        %add3A_352 = arith.addi %mul3A_272, %add3A_351 : vector<16xi32>
        %gather3A_353 = tpu.vector_load_idx %arg7[%add3A_276, %add3A_352] : memref<256x128xf32, #tpu.memory_space<vmem>>[vector<16xi32>, vector<16xi32>], vector<16xf32>,
        %add3A_354 = arith.constant 10 : i32
        %add3A_355 = vector.broadcast %add3A_354 : i32 to vector<16xi32>
        %add3A_356 = arith.addi %mul3A_48, %add3A_355 : vector<16xi32>
        tpu.vector_store_idx %arg9[%add3A_280, %add3A_356], %gather3A_353 : memref<64x128xf32, #tpu.memory_space<vmem>>[vector<16xi32>, vector<16xi32>], vector<16xf32>,
        %add3A_357 = arith.constant 11 : i32
        %add3A_358 = vector.broadcast %add3A_357 : i32 to vector<16xi32>
        %add3A_359 = arith.addi %mul3A_272, %add3A_358 : vector<16xi32>
        %gather3A_360 = tpu.vector_load_idx %arg7[%add3A_276, %add3A_359] : memref<256x128xf32, #tpu.memory_space<vmem>>[vector<16xi32>, vector<16xi32>], vector<16xf32>,
        %add3A_361 = arith.constant 11 : i32
        %add3A_362 = vector.broadcast %add3A_361 : i32 to vector<16xi32>
        %add3A_363 = arith.addi %mul3A_48, %add3A_362 : vector<16xi32>
        tpu.vector_store_idx %arg9[%add3A_280, %add3A_363], %gather3A_360 : memref<64x128xf32, #tpu.memory_space<vmem>>[vector<16xi32>, vector<16xi32>], vector<16xf32>,
        %add3A_364 = arith.constant 12 : i32
        %add3A_365 = vector.broadcast %add3A_364 : i32 to vector<16xi32>
        %add3A_366 = arith.addi %mul3A_272, %add3A_365 : vector<16xi32>
        %gather3A_367 = tpu.vector_load_idx %arg7[%add3A_276, %add3A_366] : memref<256x128xf32, #tpu.memory_space<vmem>>[vector<16xi32>, vector<16xi32>], vector<16xf32>,
        %add3A_368 = arith.constant 12 : i32
        %add3A_369 = vector.broadcast %add3A_368 : i32 to vector<16xi32>
        %add3A_370 = arith.addi %mul3A_48, %add3A_369 : vector<16xi32>
        tpu.vector_store_idx %arg9[%add3A_280, %add3A_370], %gather3A_367 : memref<64x128xf32, #tpu.memory_space<vmem>>[vector<16xi32>, vector<16xi32>], vector<16xf32>,
        %add3A_371 = arith.constant 13 : i32
        %add3A_372 = vector.broadcast %add3A_371 : i32 to vector<16xi32>
        %add3A_373 = arith.addi %mul3A_272, %add3A_372 : vector<16xi32>
        %gather3A_374 = tpu.vector_load_idx %arg7[%add3A_276, %add3A_373] : memref<256x128xf32, #tpu.memory_space<vmem>>[vector<16xi32>, vector<16xi32>], vector<16xf32>,
        %add3A_375 = arith.constant 13 : i32
        %add3A_376 = vector.broadcast %add3A_375 : i32 to vector<16xi32>
        %add3A_377 = arith.addi %mul3A_48, %add3A_376 : vector<16xi32>
        tpu.vector_store_idx %arg9[%add3A_280, %add3A_377], %gather3A_374 : memref<64x128xf32, #tpu.memory_space<vmem>>[vector<16xi32>, vector<16xi32>], vector<16xf32>,
        %add3A_378 = arith.constant 14 : i32
        %add3A_379 = vector.broadcast %add3A_378 : i32 to vector<16xi32>
        %add3A_380 = arith.addi %mul3A_272, %add3A_379 : vector<16xi32>
        %gather3A_381 = tpu.vector_load_idx %arg7[%add3A_276, %add3A_380] : memref<256x128xf32, #tpu.memory_space<vmem>>[vector<16xi32>, vector<16xi32>], vector<16xf32>,
        %add3A_382 = arith.constant 14 : i32
        %add3A_383 = vector.broadcast %add3A_382 : i32 to vector<16xi32>
        %add3A_384 = arith.addi %mul3A_48, %add3A_383 : vector<16xi32>
        tpu.vector_store_idx %arg9[%add3A_280, %add3A_384], %gather3A_381 : memref<64x128xf32, #tpu.memory_space<vmem>>[vector<16xi32>, vector<16xi32>], vector<16xf32>,
        %add3A_385 = arith.constant 15 : i32
        %add3A_386 = vector.broadcast %add3A_385 : i32 to vector<16xi32>
        %add3A_387 = arith.addi %mul3A_272, %add3A_386 : vector<16xi32>
        %gather3A_388 = tpu.vector_load_idx %arg7[%add3A_276, %add3A_387] : memref<256x128xf32, #tpu.memory_space<vmem>>[vector<16xi32>, vector<16xi32>], vector<16xf32>,
        %add3A_389 = arith.constant 15 : i32
        %add3A_390 = vector.broadcast %add3A_389 : i32 to vector<16xi32>
        %add3A_391 = arith.addi %mul3A_48, %add3A_390 : vector<16xi32>
        tpu.vector_store_idx %arg9[%add3A_280, %add3A_391], %gather3A_388 : memref<64x128xf32, #tpu.memory_space<vmem>>[vector<16xi32>, vector<16xi32>], vector<16xf32>,
        %add3A_392 = arith.constant 16 : i32
        %add3A_393 = vector.broadcast %add3A_392 : i32 to vector<16xi32>
        %add3A_394 = arith.addi %mul3A_272, %add3A_393 : vector<16xi32>
        %gather3A_395 = tpu.vector_load_idx %arg7[%add3A_276, %add3A_394] : memref<256x128xf32, #tpu.memory_space<vmem>>[vector<16xi32>, vector<16xi32>], vector<16xf32>,
        %add3A_396 = arith.constant 16 : i32
        %add3A_397 = vector.broadcast %add3A_396 : i32 to vector<16xi32>
        %add3A_398 = arith.addi %mul3A_48, %add3A_397 : vector<16xi32>
        tpu.vector_store_idx %arg9[%add3A_280, %add3A_398], %gather3A_395 : memref<64x128xf32, #tpu.memory_space<vmem>>[vector<16xi32>, vector<16xi32>], vector<16xf32>,
        %add3A_399 = arith.constant 17 : i32
        %add3A_400 = vector.broadcast %add3A_399 : i32 to vector<16xi32>
        %add3A_401 = arith.addi %mul3A_272, %add3A_400 : vector<16xi32>
        %gather3A_402 = tpu.vector_load_idx %arg7[%add3A_276, %add3A_401] : memref<256x128xf32, #tpu.memory_space<vmem>>[vector<16xi32>, vector<16xi32>], vector<16xf32>,
        %add3A_403 = arith.constant 17 : i32
        %add3A_404 = vector.broadcast %add3A_403 : i32 to vector<16xi32>
        %add3A_405 = arith.addi %mul3A_48, %add3A_404 : vector<16xi32>
        tpu.vector_store_idx %arg9[%add3A_280, %add3A_405], %gather3A_402 : memref<64x128xf32, #tpu.memory_space<vmem>>[vector<16xi32>, vector<16xi32>], vector<16xf32>,
        %add3A_406 = arith.constant 18 : i32
        %add3A_407 = vector.broadcast %add3A_406 : i32 to vector<16xi32>
        %add3A_408 = arith.addi %mul3A_272, %add3A_407 : vector<16xi32>
        %gather3A_409 = tpu.vector_load_idx %arg7[%add3A_276, %add3A_408] : memref<256x128xf32, #tpu.memory_space<vmem>>[vector<16xi32>, vector<16xi32>], vector<16xf32>,
        %add3A_410 = arith.constant 18 : i32
        %add3A_411 = vector.broadcast %add3A_410 : i32 to vector<16xi32>
        %add3A_412 = arith.addi %mul3A_48, %add3A_411 : vector<16xi32>
        tpu.vector_store_idx %arg9[%add3A_280, %add3A_412], %gather3A_409 : memref<64x128xf32, #tpu.memory_space<vmem>>[vector<16xi32>, vector<16xi32>], vector<16xf32>,
        %add3A_413 = arith.constant 19 : i32
        %add3A_414 = vector.broadcast %add3A_413 : i32 to vector<16xi32>
        %add3A_415 = arith.addi %mul3A_272, %add3A_414 : vector<16xi32>
        %gather3A_416 = tpu.vector_load_idx %arg7[%add3A_276, %add3A_415] : memref<256x128xf32, #tpu.memory_space<vmem>>[vector<16xi32>, vector<16xi32>], vector<16xf32>,
        %add3A_417 = arith.constant 19 : i32
        %add3A_418 = vector.broadcast %add3A_417 : i32 to vector<16xi32>
        %add3A_419 = arith.addi %mul3A_48, %add3A_418 : vector<16xi32>
        tpu.vector_store_idx %arg9[%add3A_280, %add3A_419], %gather3A_416 : memref<64x128xf32, #tpu.memory_space<vmem>>[vector<16xi32>, vector<16xi32>], vector<16xf32>,
        %add3A_420 = arith.constant 20 : i32
        %add3A_421 = vector.broadcast %add3A_420 : i32 to vector<16xi32>
        %add3A_422 = arith.addi %mul3A_272, %add3A_421 : vector<16xi32>
        %gather3A_423 = tpu.vector_load_idx %arg7[%add3A_276, %add3A_422] : memref<256x128xf32, #tpu.memory_space<vmem>>[vector<16xi32>, vector<16xi32>], vector<16xf32>,
        %add3A_424 = arith.constant 20 : i32
        %add3A_425 = vector.broadcast %add3A_424 : i32 to vector<16xi32>
        %add3A_426 = arith.addi %mul3A_48, %add3A_425 : vector<16xi32>
        tpu.vector_store_idx %arg9[%add3A_280, %add3A_426], %gather3A_423 : memref<64x128xf32, #tpu.memory_space<vmem>>[vector<16xi32>, vector<16xi32>], vector<16xf32>,
        %add3A_427 = arith.constant 21 : i32
        %add3A_428 = vector.broadcast %add3A_427 : i32 to vector<16xi32>
        %add3A_429 = arith.addi %mul3A_272, %add3A_428 : vector<16xi32>
        %gather3A_430 = tpu.vector_load_idx %arg7[%add3A_276, %add3A_429] : memref<256x128xf32, #tpu.memory_space<vmem>>[vector<16xi32>, vector<16xi32>], vector<16xf32>,
        %add3A_431 = arith.constant 21 : i32
        %add3A_432 = vector.broadcast %add3A_431 : i32 to vector<16xi32>
        %add3A_433 = arith.addi %mul3A_48, %add3A_432 : vector<16xi32>
        tpu.vector_store_idx %arg9[%add3A_280, %add3A_433], %gather3A_430 : memref<64x128xf32, #tpu.memory_space<vmem>>[vector<16xi32>, vector<16xi32>], vector<16xf32>,
        %add3A_434 = arith.constant 22 : i32
        %add3A_435 = vector.broadcast %add3A_434 : i32 to vector<16xi32>
        %add3A_436 = arith.addi %mul3A_272, %add3A_435 : vector<16xi32>
        %gather3A_437 = tpu.vector_load_idx %arg7[%add3A_276, %add3A_436] : memref<256x128xf32, #tpu.memory_space<vmem>>[vector<16xi32>, vector<16xi32>], vector<16xf32>,
        %add3A_438 = arith.constant 22 : i32
        %add3A_439 = vector.broadcast %add3A_438 : i32 to vector<16xi32>
        %add3A_440 = arith.addi %mul3A_48, %add3A_439 : vector<16xi32>
        tpu.vector_store_idx %arg9[%add3A_280, %add3A_440], %gather3A_437 : memref<64x128xf32, #tpu.memory_space<vmem>>[vector<16xi32>, vector<16xi32>], vector<16xf32>,
        %add3A_441 = arith.constant 23 : i32
        %add3A_442 = vector.broadcast %add3A_441 : i32 to vector<16xi32>
        %add3A_443 = arith.addi %mul3A_272, %add3A_442 : vector<16xi32>
        %gather3A_444 = tpu.vector_load_idx %arg7[%add3A_276, %add3A_443] : memref<256x128xf32, #tpu.memory_space<vmem>>[vector<16xi32>, vector<16xi32>], vector<16xf32>,
        %add3A_445 = arith.constant 23 : i32
        %add3A_446 = vector.broadcast %add3A_445 : i32 to vector<16xi32>
        %add3A_447 = arith.addi %mul3A_48, %add3A_446 : vector<16xi32>
        tpu.vector_store_idx %arg9[%add3A_280, %add3A_447], %gather3A_444 : memref<64x128xf32, #tpu.memory_space<vmem>>[vector<16xi32>, vector<16xi32>], vector<16xf32>,
        %add3A_448 = arith.constant 24 : i32
        %add3A_449 = vector.broadcast %add3A_448 : i32 to vector<16xi32>
        %add3A_450 = arith.addi %mul3A_272, %add3A_449 : vector<16xi32>
        %gather3A_451 = tpu.vector_load_idx %arg7[%add3A_276, %add3A_450] : memref<256x128xf32, #tpu.memory_space<vmem>>[vector<16xi32>, vector<16xi32>], vector<16xf32>,
        %add3A_452 = arith.constant 24 : i32
        %add3A_453 = vector.broadcast %add3A_452 : i32 to vector<16xi32>
        %add3A_454 = arith.addi %mul3A_48, %add3A_453 : vector<16xi32>
        tpu.vector_store_idx %arg9[%add3A_280, %add3A_454], %gather3A_451 : memref<64x128xf32, #tpu.memory_space<vmem>>[vector<16xi32>, vector<16xi32>], vector<16xf32>,
        %add3A_455 = arith.constant 25 : i32
        %add3A_456 = vector.broadcast %add3A_455 : i32 to vector<16xi32>
        %add3A_457 = arith.addi %mul3A_272, %add3A_456 : vector<16xi32>
        %gather3A_458 = tpu.vector_load_idx %arg7[%add3A_276, %add3A_457] : memref<256x128xf32, #tpu.memory_space<vmem>>[vector<16xi32>, vector<16xi32>], vector<16xf32>,
        %add3A_459 = arith.constant 25 : i32
        %add3A_460 = vector.broadcast %add3A_459 : i32 to vector<16xi32>
        %add3A_461 = arith.addi %mul3A_48, %add3A_460 : vector<16xi32>
        tpu.vector_store_idx %arg9[%add3A_280, %add3A_461], %gather3A_458 : memref<64x128xf32, #tpu.memory_space<vmem>>[vector<16xi32>, vector<16xi32>], vector<16xf32>,
        %add3A_462 = arith.constant 26 : i32
        %add3A_463 = vector.broadcast %add3A_462 : i32 to vector<16xi32>
        %add3A_464 = arith.addi %mul3A_272, %add3A_463 : vector<16xi32>
        %gather3A_465 = tpu.vector_load_idx %arg7[%add3A_276, %add3A_464] : memref<256x128xf32, #tpu.memory_space<vmem>>[vector<16xi32>, vector<16xi32>], vector<16xf32>,
        %add3A_466 = arith.constant 26 : i32
        %add3A_467 = vector.broadcast %add3A_466 : i32 to vector<16xi32>
        %add3A_468 = arith.addi %mul3A_48, %add3A_467 : vector<16xi32>
        tpu.vector_store_idx %arg9[%add3A_280, %add3A_468], %gather3A_465 : memref<64x128xf32, #tpu.memory_space<vmem>>[vector<16xi32>, vector<16xi32>], vector<16xf32>,
        %add3A_469 = arith.constant 27 : i32
        %add3A_470 = vector.broadcast %add3A_469 : i32 to vector<16xi32>
        %add3A_471 = arith.addi %mul3A_272, %add3A_470 : vector<16xi32>
        %gather3A_472 = tpu.vector_load_idx %arg7[%add3A_276, %add3A_471] : memref<256x128xf32, #tpu.memory_space<vmem>>[vector<16xi32>, vector<16xi32>], vector<16xf32>,
        %add3A_473 = arith.constant 27 : i32
        %add3A_474 = vector.broadcast %add3A_473 : i32 to vector<16xi32>
        %add3A_475 = arith.addi %mul3A_48, %add3A_474 : vector<16xi32>
        tpu.vector_store_idx %arg9[%add3A_280, %add3A_475], %gather3A_472 : memref<64x128xf32, #tpu.memory_space<vmem>>[vector<16xi32>, vector<16xi32>], vector<16xf32>,
        %add3A_476 = arith.constant 28 : i32
        %add3A_477 = vector.broadcast %add3A_476 : i32 to vector<16xi32>
        %add3A_478 = arith.addi %mul3A_272, %add3A_477 : vector<16xi32>
        %gather3A_479 = tpu.vector_load_idx %arg7[%add3A_276, %add3A_478] : memref<256x128xf32, #tpu.memory_space<vmem>>[vector<16xi32>, vector<16xi32>], vector<16xf32>,
        %add3A_480 = arith.constant 28 : i32
        %add3A_481 = vector.broadcast %add3A_480 : i32 to vector<16xi32>
        %add3A_482 = arith.addi %mul3A_48, %add3A_481 : vector<16xi32>
        tpu.vector_store_idx %arg9[%add3A_280, %add3A_482], %gather3A_479 : memref<64x128xf32, #tpu.memory_space<vmem>>[vector<16xi32>, vector<16xi32>], vector<16xf32>,
        %add3A_483 = arith.constant 29 : i32
        %add3A_484 = vector.broadcast %add3A_483 : i32 to vector<16xi32>
        %add3A_485 = arith.addi %mul3A_272, %add3A_484 : vector<16xi32>
        %gather3A_486 = tpu.vector_load_idx %arg7[%add3A_276, %add3A_485] : memref<256x128xf32, #tpu.memory_space<vmem>>[vector<16xi32>, vector<16xi32>], vector<16xf32>,
        %add3A_487 = arith.constant 29 : i32
        %add3A_488 = vector.broadcast %add3A_487 : i32 to vector<16xi32>
        %add3A_489 = arith.addi %mul3A_48, %add3A_488 : vector<16xi32>
        tpu.vector_store_idx %arg9[%add3A_280, %add3A_489], %gather3A_486 : memref<64x128xf32, #tpu.memory_space<vmem>>[vector<16xi32>, vector<16xi32>], vector<16xf32>,
        %add3A_490 = arith.constant 30 : i32
        %add3A_491 = vector.broadcast %add3A_490 : i32 to vector<16xi32>
        %add3A_492 = arith.addi %mul3A_272, %add3A_491 : vector<16xi32>
        %gather3A_493 = tpu.vector_load_idx %arg7[%add3A_276, %add3A_492] : memref<256x128xf32, #tpu.memory_space<vmem>>[vector<16xi32>, vector<16xi32>], vector<16xf32>,
        %add3A_494 = arith.constant 30 : i32
        %add3A_495 = vector.broadcast %add3A_494 : i32 to vector<16xi32>
        %add3A_496 = arith.addi %mul3A_48, %add3A_495 : vector<16xi32>
        tpu.vector_store_idx %arg9[%add3A_280, %add3A_496], %gather3A_493 : memref<64x128xf32, #tpu.memory_space<vmem>>[vector<16xi32>, vector<16xi32>], vector<16xf32>,
        %add3A_497 = arith.constant 31 : i32
        %add3A_498 = vector.broadcast %add3A_497 : i32 to vector<16xi32>
        %add3A_499 = arith.addi %mul3A_272, %add3A_498 : vector<16xi32>
        %gather3A_500 = tpu.vector_load_idx %arg7[%add3A_276, %add3A_499] : memref<256x128xf32, #tpu.memory_space<vmem>>[vector<16xi32>, vector<16xi32>], vector<16xf32>,
        %add3A_501 = arith.constant 31 : i32
        %add3A_502 = vector.broadcast %add3A_501 : i32 to vector<16xi32>
        %add3A_503 = arith.addi %mul3A_48, %add3A_502 : vector<16xi32>
        tpu.vector_store_idx %arg9[%add3A_280, %add3A_503], %gather3A_500 : memref<64x128xf32, #tpu.memory_space<vmem>>[vector<16xi32>, vector<16xi32>], vector<16xf32>,
        %scan3A_504 = arith.constant 0 : i32
        scf.yield %scan3A_504 : i32
      }
      %scan3A_158 = arith.constant 16 : i32
      %gt3A = arith.constant 0 : i32
      %gt3A_159 = arith.cmpi sgt, %scan3A_94, %gt3A : i32
      %convert_element_type3A = arith.extui %gt3A_159 : i1 to i32
      %cond3A = arith.constant 0 : i32
      %cond3A_160 = arith.cmpi ne, %convert_element_type3A, %cond3A : i32
      scf.if %cond3A_160 {
        %sub3A_219 = arith.constant 2 : i32
        %sub3A_220 = arith.subi %mul3A_97, %sub3A_219 : i32
        %mul3A_221 = arith.constant 64 : i32
        %mul3A_222 = arith.muli %sub3A_220, %mul3A_221 : i32
        %add3A_223 = arith.addi %mul3A_50, %mul3A_222 : i32
        %dma_wait3A_224 = arith.constant 0 : i32
        %dma_wait3A_225 = tpu.memref_slice %arg4[%add3A_223, %dma_wait3A_224] : memref<106496x128xf32, #tpu.memory_space<hbm>> -> memref<64x128xf32, #tpu.memory_space<hbm>>
        %dma_wait3A_226 = arith.constant 0 : i32
        %dma_wait3A_227 = tpu.memref_slice %arg4[%add3A_223, %dma_wait3A_226] : memref<106496x128xf32, #tpu.memory_space<hbm>> -> memref<64x128xf32, #tpu.memory_space<hbm>>
        tpu.wait_dma2 semaphore(%arg13 : memref<!tpu.dma_semaphore, #tpu.memory_space<semaphore_mem>>) src(%arg9 : memref<64x128xf32, #tpu.memory_space<vmem>>) dst(%dma_wait3A_227 : memref<64x128xf32, #tpu.memory_space<hbm>>)
      } else {
      }
      %mul3A_161 = arith.constant 64 : i32
      %mul3A_162 = arith.muli %mul3A_97, %mul3A_161 : i32
      %add3A_163 = arith.addi %mul3A_50, %mul3A_162 : i32
      %dma_start3A_164 = arith.constant 0 : i32
      %dma_start3A_165 = tpu.memref_slice %arg4[%add3A_163, %dma_start3A_164] : memref<106496x128xf32, #tpu.memory_space<hbm>> -> memref<64x128xf32, #tpu.memory_space<hbm>>
      %dma_start3A_166 = arith.constant 0 : i32
      %dma_start3A_167 = tpu.memref_slice %arg4[%add3A_163, %dma_start3A_166] : memref<106496x128xf32, #tpu.memory_space<hbm>> -> memref<64x128xf32, #tpu.memory_space<hbm>>
      tpu.enqueue_dma source(%arg9 : memref<64x128xf32, #tpu.memory_space<vmem>>) target(%dma_start3A_167 : memref<64x128xf32, #tpu.memory_space<hbm>>) target_semaphore(%arg13 : memref<!tpu.dma_semaphore, #tpu.memory_space<semaphore_mem>>)
      %lt3A_168 = arith.constant 25 : i32
      %lt3A_169 = arith.cmpi slt, %scan3A_94, %lt3A_168 : i32
      %convert_element_type3A_170 = arith.extui %lt3A_169 : i1 to i32
      %cond3A_171 = arith.constant 0 : i32
      %cond3A_172 = arith.cmpi ne, %convert_element_type3A_170, %cond3A_171 : i32
      scf.if %cond3A_172 {
        %add3A_219 = arith.constant 2 : i32
        %add3A_220 = arith.addi %mul3A_97, %add3A_219 : i32
        %mul3A_221 = arith.constant 2 : i32
        %mul3A_222 = arith.muli %mul3A_221, %add3A_220 : i32
        %add3A_223 = arith.constant 0 : i32
        %add3A_224 = arith.addi %mul3A_222, %add3A_223 : i32
        %dma_start3A_225 = arith.constant 0 : i32
        %dma_start3A_226 = arith.constant 0 : i32
        %dma_start3A_227 = tpu.memref_slice %arg7[%dma_start3A_225, %dma_start3A_226] : memref<256x128xf32, #tpu.memory_space<vmem>> -> memref<128x128xf32, #tpu.memory_space<vmem>>
        %dma_start3A_228 = arith.constant 0 : i32
        %dma_start3A_229 = tpu.memref_slice %arg6[%add3A_224, %dma_start3A_228] : memref<104x128xi32, #tpu.memory_space<vmem>> -> memref<1x128xi32, #tpu.memory_space<vmem>>
        %dma_start3A_230 = tpu.memref_squeeze %dma_start3A_229 : memref<1x128xi32, #tpu.memory_space<vmem>> -> memref<128xi32, #tpu.memory_space<vmem>>
        %dma_start3A_231 = arith.constant 0 : i32
        %dma_start3A_232 = arith.constant 0 : i32
        %dma_start3A_233 = tpu.memref_slice %arg3[%dma_start3A_231, %dma_start3A_232] : memref<262144x128xf32, #tpu.memory_space<hbm>> -> memref<262144x128xf32, #tpu.memory_space<hbm>>
        tpu.enqueue_indirect_dma source(%dma_start3A_233 : memref<262144x128xf32, #tpu.memory_space<hbm>>) target(%dma_start3A_227 : memref<128x128xf32, #tpu.memory_space<vmem>>) offsets(%dma_start3A_230 : memref<128xi32, #tpu.memory_space<vmem>>) semaphore(%arg11 : memref<!tpu.dma_semaphore, #tpu.memory_space<semaphore_mem>>)
        %mul3A_234 = arith.constant 2 : i32
        %mul3A_235 = arith.muli %mul3A_234, %add3A_220 : i32
        %add3A_236 = arith.constant 1 : i32
        %add3A_237 = arith.addi %mul3A_235, %add3A_236 : i32
        %dma_start3A_238 = arith.constant 128 : i32
        %dma_start3A_239 = arith.constant 0 : i32
        %dma_start3A_240 = tpu.memref_slice %arg7[%dma_start3A_238, %dma_start3A_239] : memref<256x128xf32, #tpu.memory_space<vmem>> -> memref<128x128xf32, #tpu.memory_space<vmem>>
        %dma_start3A_241 = arith.constant 0 : i32
        %dma_start3A_242 = tpu.memref_slice %arg6[%add3A_237, %dma_start3A_241] : memref<104x128xi32, #tpu.memory_space<vmem>> -> memref<1x128xi32, #tpu.memory_space<vmem>>
        %dma_start3A_243 = tpu.memref_squeeze %dma_start3A_242 : memref<1x128xi32, #tpu.memory_space<vmem>> -> memref<128xi32, #tpu.memory_space<vmem>>
        %dma_start3A_244 = arith.constant 0 : i32
        %dma_start3A_245 = arith.constant 0 : i32
        %dma_start3A_246 = tpu.memref_slice %arg3[%dma_start3A_244, %dma_start3A_245] : memref<262144x128xf32, #tpu.memory_space<hbm>> -> memref<262144x128xf32, #tpu.memory_space<hbm>>
        tpu.enqueue_indirect_dma source(%dma_start3A_246 : memref<262144x128xf32, #tpu.memory_space<hbm>>) target(%dma_start3A_240 : memref<128x128xf32, #tpu.memory_space<vmem>>) offsets(%dma_start3A_243 : memref<128xi32, #tpu.memory_space<vmem>>) semaphore(%arg11 : memref<!tpu.dma_semaphore, #tpu.memory_space<semaphore_mem>>)
      } else {
      }
      %mul3A_173 = arith.constant 2 : i32
      %mul3A_174 = arith.muli %mul3A_173, %add3A_99 : i32
      %add3A_175 = arith.constant 0 : i32
      %add3A_176 = arith.addi %mul3A_174, %add3A_175 : i32
      %dma_wait3A_177 = arith.constant 0 : i32
      %dma_wait3A_178 = arith.constant 0 : i32
      %dma_wait3A_179 = tpu.memref_slice %arg8[%dma_wait3A_177, %dma_wait3A_178] : memref<256x128xf32, #tpu.memory_space<vmem>> -> memref<128x128xf32, #tpu.memory_space<vmem>>
      %dma_wait3A_180 = arith.constant 0 : i32
      %dma_wait3A_181 = tpu.memref_slice %arg6[%add3A_176, %dma_wait3A_180] : memref<104x128xi32, #tpu.memory_space<vmem>> -> memref<1x128xi32, #tpu.memory_space<vmem>>
      %dma_wait3A_182 = tpu.memref_squeeze %dma_wait3A_181 : memref<1x128xi32, #tpu.memory_space<vmem>> -> memref<128xi32, #tpu.memory_space<vmem>>
      %dma_wait3A_183 = arith.constant 0 : i32
      %dma_wait3A_184 = arith.constant 0 : i32
      %dma_wait3A_185 = tpu.memref_slice %arg3[%dma_wait3A_183, %dma_wait3A_184] : memref<262144x128xf32, #tpu.memory_space<hbm>> -> memref<262144x128xf32, #tpu.memory_space<hbm>>
      tpu.wait_indirect_dma semaphore(%arg12 : memref<!tpu.dma_semaphore, #tpu.memory_space<semaphore_mem>>) src(%dma_wait3A_185 : memref<262144x128xf32, #tpu.memory_space<hbm>>) dst(%dma_wait3A_179 : memref<128x128xf32, #tpu.memory_space<vmem>>)
      %mul3A_186 = arith.constant 2 : i32
      %mul3A_187 = arith.muli %mul3A_186, %add3A_99 : i32
      %add3A_188 = arith.constant 1 : i32
      %add3A_189 = arith.addi %mul3A_187, %add3A_188 : i32
      %dma_wait3A_190 = arith.constant 128 : i32
      %dma_wait3A_191 = arith.constant 0 : i32
      %dma_wait3A_192 = tpu.memref_slice %arg8[%dma_wait3A_190, %dma_wait3A_191] : memref<256x128xf32, #tpu.memory_space<vmem>> -> memref<128x128xf32, #tpu.memory_space<vmem>>
      %dma_wait3A_193 = arith.constant 0 : i32
      %dma_wait3A_194 = tpu.memref_slice %arg6[%add3A_189, %dma_wait3A_193] : memref<104x128xi32, #tpu.memory_space<vmem>> -> memref<1x128xi32, #tpu.memory_space<vmem>>
      %dma_wait3A_195 = tpu.memref_squeeze %dma_wait3A_194 : memref<1x128xi32, #tpu.memory_space<vmem>> -> memref<128xi32, #tpu.memory_space<vmem>>
      %dma_wait3A_196 = arith.constant 0 : i32
      %dma_wait3A_197 = arith.constant 0 : i32
      %dma_wait3A_198 = tpu.memref_slice %arg3[%dma_wait3A_196, %dma_wait3A_197] : memref<262144x128xf32, #tpu.memory_space<hbm>> -> memref<262144x128xf32, #tpu.memory_space<hbm>>
      tpu.wait_indirect_dma semaphore(%arg12 : memref<!tpu.dma_semaphore, #tpu.memory_space<semaphore_mem>>) src(%dma_wait3A_198 : memref<262144x128xf32, #tpu.memory_space<hbm>>) dst(%dma_wait3A_192 : memref<128x128xf32, #tpu.memory_space<vmem>>)
      %scan3A_199 = arith.constant 0 : i32
      %scan3A_200 = arith.constant 0 : i32
      %scan3A_201 = arith.constant 16 : i32
      %scan3A_202 = arith.addi %scan3A_200, %scan3A_201 : i32
      %scan3A_203 = arith.constant 1 : i32
      %scan3A_204 = scf.for %scan3A_219 = %scan3A_200 to %scan3A_202 step %scan3A_203 iter_args(%scan3A_220 = %scan3A_199) -> (i32)  : i32 {
        %mul3A_221 = arith.constant 2 : i32
        %mul3A_222 = arith.muli %mul3A_221, %add3A_99 : i32
        %jit3A_223 = arith.constant 8 : i32
        %div3A_224 = arith.divsi %scan3A_219, %jit3A_223 : i32
        %sign3A_225 = arith.constant 0 : i32
        %sign3A_226 = arith.cmpi sgt, %scan3A_219, %sign3A_225 : i32
        %sign3A_227 = arith.extui %sign3A_226 : i1 to i32
        %sign3A_228 = arith.constant 0 : i32
        %sign3A_229 = arith.cmpi slt, %scan3A_219, %sign3A_228 : i32
        %sign3A_230 = arith.extui %sign3A_229 : i1 to i32
        %sign3A_231 = arith.subi %sign3A_227, %sign3A_230 : i32
        %sign3A_232 = arith.constant 0 : i32
        %sign3A_233 = arith.cmpi sgt, %jit3A_223, %sign3A_232 : i32
        %sign3A_234 = arith.extui %sign3A_233 : i1 to i32
        %sign3A_235 = arith.constant 0 : i32
        %sign3A_236 = arith.cmpi slt, %jit3A_223, %sign3A_235 : i32
        %sign3A_237 = arith.extui %sign3A_236 : i1 to i32
        %sign3A_238 = arith.subi %sign3A_234, %sign3A_237 : i32
        %ne3A_239 = arith.cmpi ne, %sign3A_231, %sign3A_238 : i32
        %rem3A_240 = arith.remsi %scan3A_219, %jit3A_223 : i32
        %ne3A_241 = arith.constant 0 : i32
        %ne3A_242 = arith.cmpi ne, %rem3A_240, %ne3A_241 : i32
        %and3A_243 = arith.andi %ne3A_239, %ne3A_242 : i1
        %sub3A_244 = arith.constant 1 : i32
        %sub3A_245 = arith.subi %div3A_224, %sub3A_244 : i32
        %select_n3A_246 = arith.select %and3A_243, %sub3A_245, %div3A_224 : i32
        %add3A_247 = arith.addi %mul3A_222, %select_n3A_246 : i32
        %jit3A_248 = arith.constant 8 : i32
        %eq3A_249 = arith.constant 0 : i32
        %eq3A_250 = arith.cmpi eq, %jit3A_248, %eq3A_249 : i32
        %jit3A_251 = arith.constant 1 : i32
        %select_n3A_252 = arith.select %eq3A_250, %jit3A_251, %jit3A_248 : i32
        %rem3A_253 = arith.remsi %scan3A_219, %select_n3A_252 : i32
        %ne3A_254 = arith.constant 0 : i32
        %ne3A_255 = arith.cmpi ne, %rem3A_253, %ne3A_254 : i32
        %lt3A_256 = arith.constant 0 : i32
        %lt3A_257 = arith.cmpi slt, %rem3A_253, %lt3A_256 : i32
        %lt3A_258 = arith.constant 0 : i32
        %lt3A_259 = arith.cmpi slt, %select_n3A_252, %lt3A_258 : i32
        %ne3A_260 = arith.xori %lt3A_257, %lt3A_259 : i1
        %and3A_261 = arith.andi %ne3A_260, %ne3A_255 : i1
        %add3A_262 = arith.addi %rem3A_253, %select_n3A_252 : i32
        %select_n3A_263 = arith.select %and3A_261, %add3A_262, %rem3A_253 : i32
        %mul3A_264 = arith.constant 16 : i32
        %mul3A_265 = arith.muli %mul3A_264, %select_n3A_263 : i32
        %get3A = arith.index_cast %add3A_247 : i32 to index
        %get3A_266 = arith.index_cast %mul3A_265 : i32 to index
        %get3A_267 = tpu.vector_load %arg5[%get3A, %get3A_266] {strides = array<i32>} : memref<104x128xi32, #tpu.memory_space<vmem>>, vector<16xi32>,
        %shift_right_arithmetic3A = arith.constant 18 : i32
        %shift_right_arithmetic3A_268 = vector.broadcast %shift_right_arithmetic3A : i32 to vector<16xi32>
        %shift_right_arithmetic3A_269 = arith.shrsi %get3A_267, %shift_right_arithmetic3A_268 : vector<16xi32>
        %mul3A_270 = arith.constant 32 : i32
        %mul3A_271 = vector.broadcast %mul3A_270 : i32 to vector<16xi32>
        %mul3A_272 = arith.muli %mul3A_271, %shift_right_arithmetic3A_269 : vector<16xi32>
        %mul3A_273 = arith.constant 16 : i32
        %mul3A_274 = arith.muli %mul3A_273, %scan3A_219 : i32
        %add3A_275 = vector.broadcast %mul3A_274 : i32 to vector<16xi32>
        %add3A_276 = arith.addi %add3A_275, %iota3A : vector<16xi32>
        %mul3A_277 = arith.constant 4 : i32
        %mul3A_278 = arith.muli %mul3A_277, %scan3A_219 : i32
        %add3A_279 = vector.broadcast %mul3A_278 : i32 to vector<16xi32>
        %add3A_280 = arith.addi %add3A_279, %select_n3A : vector<16xi32>
        %add3A_281 = arith.constant 0 : i32
        %add3A_282 = vector.broadcast %add3A_281 : i32 to vector<16xi32>
        %add3A_283 = arith.addi %mul3A_272, %add3A_282 : vector<16xi32>
        %gather3A = tpu.vector_load_idx %arg8[%add3A_276, %add3A_283] : memref<256x128xf32, #tpu.memory_space<vmem>>[vector<16xi32>, vector<16xi32>], vector<16xf32>,
        %add3A_284 = arith.constant 0 : i32
        %add3A_285 = vector.broadcast %add3A_284 : i32 to vector<16xi32>
        %add3A_286 = arith.addi %mul3A_48, %add3A_285 : vector<16xi32>
        tpu.vector_store_idx %arg10[%add3A_280, %add3A_286], %gather3A : memref<64x128xf32, #tpu.memory_space<vmem>>[vector<16xi32>, vector<16xi32>], vector<16xf32>,
        %add3A_287 = arith.constant 1 : i32
        %add3A_288 = vector.broadcast %add3A_287 : i32 to vector<16xi32>
        %add3A_289 = arith.addi %mul3A_272, %add3A_288 : vector<16xi32>
        %gather3A_290 = tpu.vector_load_idx %arg8[%add3A_276, %add3A_289] : memref<256x128xf32, #tpu.memory_space<vmem>>[vector<16xi32>, vector<16xi32>], vector<16xf32>,
        %add3A_291 = arith.constant 1 : i32
        %add3A_292 = vector.broadcast %add3A_291 : i32 to vector<16xi32>
        %add3A_293 = arith.addi %mul3A_48, %add3A_292 : vector<16xi32>
        tpu.vector_store_idx %arg10[%add3A_280, %add3A_293], %gather3A_290 : memref<64x128xf32, #tpu.memory_space<vmem>>[vector<16xi32>, vector<16xi32>], vector<16xf32>,
        %add3A_294 = arith.constant 2 : i32
        %add3A_295 = vector.broadcast %add3A_294 : i32 to vector<16xi32>
        %add3A_296 = arith.addi %mul3A_272, %add3A_295 : vector<16xi32>
        %gather3A_297 = tpu.vector_load_idx %arg8[%add3A_276, %add3A_296] : memref<256x128xf32, #tpu.memory_space<vmem>>[vector<16xi32>, vector<16xi32>], vector<16xf32>,
        %add3A_298 = arith.constant 2 : i32
        %add3A_299 = vector.broadcast %add3A_298 : i32 to vector<16xi32>
        %add3A_300 = arith.addi %mul3A_48, %add3A_299 : vector<16xi32>
        tpu.vector_store_idx %arg10[%add3A_280, %add3A_300], %gather3A_297 : memref<64x128xf32, #tpu.memory_space<vmem>>[vector<16xi32>, vector<16xi32>], vector<16xf32>,
        %add3A_301 = arith.constant 3 : i32
        %add3A_302 = vector.broadcast %add3A_301 : i32 to vector<16xi32>
        %add3A_303 = arith.addi %mul3A_272, %add3A_302 : vector<16xi32>
        %gather3A_304 = tpu.vector_load_idx %arg8[%add3A_276, %add3A_303] : memref<256x128xf32, #tpu.memory_space<vmem>>[vector<16xi32>, vector<16xi32>], vector<16xf32>,
        %add3A_305 = arith.constant 3 : i32
        %add3A_306 = vector.broadcast %add3A_305 : i32 to vector<16xi32>
        %add3A_307 = arith.addi %mul3A_48, %add3A_306 : vector<16xi32>
        tpu.vector_store_idx %arg10[%add3A_280, %add3A_307], %gather3A_304 : memref<64x128xf32, #tpu.memory_space<vmem>>[vector<16xi32>, vector<16xi32>], vector<16xf32>,
        %add3A_308 = arith.constant 4 : i32
        %add3A_309 = vector.broadcast %add3A_308 : i32 to vector<16xi32>
        %add3A_310 = arith.addi %mul3A_272, %add3A_309 : vector<16xi32>
        %gather3A_311 = tpu.vector_load_idx %arg8[%add3A_276, %add3A_310] : memref<256x128xf32, #tpu.memory_space<vmem>>[vector<16xi32>, vector<16xi32>], vector<16xf32>,
        %add3A_312 = arith.constant 4 : i32
        %add3A_313 = vector.broadcast %add3A_312 : i32 to vector<16xi32>
        %add3A_314 = arith.addi %mul3A_48, %add3A_313 : vector<16xi32>
        tpu.vector_store_idx %arg10[%add3A_280, %add3A_314], %gather3A_311 : memref<64x128xf32, #tpu.memory_space<vmem>>[vector<16xi32>, vector<16xi32>], vector<16xf32>,
        %add3A_315 = arith.constant 5 : i32
        %add3A_316 = vector.broadcast %add3A_315 : i32 to vector<16xi32>
        %add3A_317 = arith.addi %mul3A_272, %add3A_316 : vector<16xi32>
        %gather3A_318 = tpu.vector_load_idx %arg8[%add3A_276, %add3A_317] : memref<256x128xf32, #tpu.memory_space<vmem>>[vector<16xi32>, vector<16xi32>], vector<16xf32>,
        %add3A_319 = arith.constant 5 : i32
        %add3A_320 = vector.broadcast %add3A_319 : i32 to vector<16xi32>
        %add3A_321 = arith.addi %mul3A_48, %add3A_320 : vector<16xi32>
        tpu.vector_store_idx %arg10[%add3A_280, %add3A_321], %gather3A_318 : memref<64x128xf32, #tpu.memory_space<vmem>>[vector<16xi32>, vector<16xi32>], vector<16xf32>,
        %add3A_322 = arith.constant 6 : i32
        %add3A_323 = vector.broadcast %add3A_322 : i32 to vector<16xi32>
        %add3A_324 = arith.addi %mul3A_272, %add3A_323 : vector<16xi32>
        %gather3A_325 = tpu.vector_load_idx %arg8[%add3A_276, %add3A_324] : memref<256x128xf32, #tpu.memory_space<vmem>>[vector<16xi32>, vector<16xi32>], vector<16xf32>,
        %add3A_326 = arith.constant 6 : i32
        %add3A_327 = vector.broadcast %add3A_326 : i32 to vector<16xi32>
        %add3A_328 = arith.addi %mul3A_48, %add3A_327 : vector<16xi32>
        tpu.vector_store_idx %arg10[%add3A_280, %add3A_328], %gather3A_325 : memref<64x128xf32, #tpu.memory_space<vmem>>[vector<16xi32>, vector<16xi32>], vector<16xf32>,
        %add3A_329 = arith.constant 7 : i32
        %add3A_330 = vector.broadcast %add3A_329 : i32 to vector<16xi32>
        %add3A_331 = arith.addi %mul3A_272, %add3A_330 : vector<16xi32>
        %gather3A_332 = tpu.vector_load_idx %arg8[%add3A_276, %add3A_331] : memref<256x128xf32, #tpu.memory_space<vmem>>[vector<16xi32>, vector<16xi32>], vector<16xf32>,
        %add3A_333 = arith.constant 7 : i32
        %add3A_334 = vector.broadcast %add3A_333 : i32 to vector<16xi32>
        %add3A_335 = arith.addi %mul3A_48, %add3A_334 : vector<16xi32>
        tpu.vector_store_idx %arg10[%add3A_280, %add3A_335], %gather3A_332 : memref<64x128xf32, #tpu.memory_space<vmem>>[vector<16xi32>, vector<16xi32>], vector<16xf32>,
        %add3A_336 = arith.constant 8 : i32
        %add3A_337 = vector.broadcast %add3A_336 : i32 to vector<16xi32>
        %add3A_338 = arith.addi %mul3A_272, %add3A_337 : vector<16xi32>
        %gather3A_339 = tpu.vector_load_idx %arg8[%add3A_276, %add3A_338] : memref<256x128xf32, #tpu.memory_space<vmem>>[vector<16xi32>, vector<16xi32>], vector<16xf32>,
        %add3A_340 = arith.constant 8 : i32
        %add3A_341 = vector.broadcast %add3A_340 : i32 to vector<16xi32>
        %add3A_342 = arith.addi %mul3A_48, %add3A_341 : vector<16xi32>
        tpu.vector_store_idx %arg10[%add3A_280, %add3A_342], %gather3A_339 : memref<64x128xf32, #tpu.memory_space<vmem>>[vector<16xi32>, vector<16xi32>], vector<16xf32>,
        %add3A_343 = arith.constant 9 : i32
        %add3A_344 = vector.broadcast %add3A_343 : i32 to vector<16xi32>
        %add3A_345 = arith.addi %mul3A_272, %add3A_344 : vector<16xi32>
        %gather3A_346 = tpu.vector_load_idx %arg8[%add3A_276, %add3A_345] : memref<256x128xf32, #tpu.memory_space<vmem>>[vector<16xi32>, vector<16xi32>], vector<16xf32>,
        %add3A_347 = arith.constant 9 : i32
        %add3A_348 = vector.broadcast %add3A_347 : i32 to vector<16xi32>
        %add3A_349 = arith.addi %mul3A_48, %add3A_348 : vector<16xi32>
        tpu.vector_store_idx %arg10[%add3A_280, %add3A_349], %gather3A_346 : memref<64x128xf32, #tpu.memory_space<vmem>>[vector<16xi32>, vector<16xi32>], vector<16xf32>,
        %add3A_350 = arith.constant 10 : i32
        %add3A_351 = vector.broadcast %add3A_350 : i32 to vector<16xi32>
        %add3A_352 = arith.addi %mul3A_272, %add3A_351 : vector<16xi32>
        %gather3A_353 = tpu.vector_load_idx %arg8[%add3A_276, %add3A_352] : memref<256x128xf32, #tpu.memory_space<vmem>>[vector<16xi32>, vector<16xi32>], vector<16xf32>,
        %add3A_354 = arith.constant 10 : i32
        %add3A_355 = vector.broadcast %add3A_354 : i32 to vector<16xi32>
        %add3A_356 = arith.addi %mul3A_48, %add3A_355 : vector<16xi32>
        tpu.vector_store_idx %arg10[%add3A_280, %add3A_356], %gather3A_353 : memref<64x128xf32, #tpu.memory_space<vmem>>[vector<16xi32>, vector<16xi32>], vector<16xf32>,
        %add3A_357 = arith.constant 11 : i32
        %add3A_358 = vector.broadcast %add3A_357 : i32 to vector<16xi32>
        %add3A_359 = arith.addi %mul3A_272, %add3A_358 : vector<16xi32>
        %gather3A_360 = tpu.vector_load_idx %arg8[%add3A_276, %add3A_359] : memref<256x128xf32, #tpu.memory_space<vmem>>[vector<16xi32>, vector<16xi32>], vector<16xf32>,
        %add3A_361 = arith.constant 11 : i32
        %add3A_362 = vector.broadcast %add3A_361 : i32 to vector<16xi32>
        %add3A_363 = arith.addi %mul3A_48, %add3A_362 : vector<16xi32>
        tpu.vector_store_idx %arg10[%add3A_280, %add3A_363], %gather3A_360 : memref<64x128xf32, #tpu.memory_space<vmem>>[vector<16xi32>, vector<16xi32>], vector<16xf32>,
        %add3A_364 = arith.constant 12 : i32
        %add3A_365 = vector.broadcast %add3A_364 : i32 to vector<16xi32>
        %add3A_366 = arith.addi %mul3A_272, %add3A_365 : vector<16xi32>
        %gather3A_367 = tpu.vector_load_idx %arg8[%add3A_276, %add3A_366] : memref<256x128xf32, #tpu.memory_space<vmem>>[vector<16xi32>, vector<16xi32>], vector<16xf32>,
        %add3A_368 = arith.constant 12 : i32
        %add3A_369 = vector.broadcast %add3A_368 : i32 to vector<16xi32>
        %add3A_370 = arith.addi %mul3A_48, %add3A_369 : vector<16xi32>
        tpu.vector_store_idx %arg10[%add3A_280, %add3A_370], %gather3A_367 : memref<64x128xf32, #tpu.memory_space<vmem>>[vector<16xi32>, vector<16xi32>], vector<16xf32>,
        %add3A_371 = arith.constant 13 : i32
        %add3A_372 = vector.broadcast %add3A_371 : i32 to vector<16xi32>
        %add3A_373 = arith.addi %mul3A_272, %add3A_372 : vector<16xi32>
        %gather3A_374 = tpu.vector_load_idx %arg8[%add3A_276, %add3A_373] : memref<256x128xf32, #tpu.memory_space<vmem>>[vector<16xi32>, vector<16xi32>], vector<16xf32>,
        %add3A_375 = arith.constant 13 : i32
        %add3A_376 = vector.broadcast %add3A_375 : i32 to vector<16xi32>
        %add3A_377 = arith.addi %mul3A_48, %add3A_376 : vector<16xi32>
        tpu.vector_store_idx %arg10[%add3A_280, %add3A_377], %gather3A_374 : memref<64x128xf32, #tpu.memory_space<vmem>>[vector<16xi32>, vector<16xi32>], vector<16xf32>,
        %add3A_378 = arith.constant 14 : i32
        %add3A_379 = vector.broadcast %add3A_378 : i32 to vector<16xi32>
        %add3A_380 = arith.addi %mul3A_272, %add3A_379 : vector<16xi32>
        %gather3A_381 = tpu.vector_load_idx %arg8[%add3A_276, %add3A_380] : memref<256x128xf32, #tpu.memory_space<vmem>>[vector<16xi32>, vector<16xi32>], vector<16xf32>,
        %add3A_382 = arith.constant 14 : i32
        %add3A_383 = vector.broadcast %add3A_382 : i32 to vector<16xi32>
        %add3A_384 = arith.addi %mul3A_48, %add3A_383 : vector<16xi32>
        tpu.vector_store_idx %arg10[%add3A_280, %add3A_384], %gather3A_381 : memref<64x128xf32, #tpu.memory_space<vmem>>[vector<16xi32>, vector<16xi32>], vector<16xf32>,
        %add3A_385 = arith.constant 15 : i32
        %add3A_386 = vector.broadcast %add3A_385 : i32 to vector<16xi32>
        %add3A_387 = arith.addi %mul3A_272, %add3A_386 : vector<16xi32>
        %gather3A_388 = tpu.vector_load_idx %arg8[%add3A_276, %add3A_387] : memref<256x128xf32, #tpu.memory_space<vmem>>[vector<16xi32>, vector<16xi32>], vector<16xf32>,
        %add3A_389 = arith.constant 15 : i32
        %add3A_390 = vector.broadcast %add3A_389 : i32 to vector<16xi32>
        %add3A_391 = arith.addi %mul3A_48, %add3A_390 : vector<16xi32>
        tpu.vector_store_idx %arg10[%add3A_280, %add3A_391], %gather3A_388 : memref<64x128xf32, #tpu.memory_space<vmem>>[vector<16xi32>, vector<16xi32>], vector<16xf32>,
        %add3A_392 = arith.constant 16 : i32
        %add3A_393 = vector.broadcast %add3A_392 : i32 to vector<16xi32>
        %add3A_394 = arith.addi %mul3A_272, %add3A_393 : vector<16xi32>
        %gather3A_395 = tpu.vector_load_idx %arg8[%add3A_276, %add3A_394] : memref<256x128xf32, #tpu.memory_space<vmem>>[vector<16xi32>, vector<16xi32>], vector<16xf32>,
        %add3A_396 = arith.constant 16 : i32
        %add3A_397 = vector.broadcast %add3A_396 : i32 to vector<16xi32>
        %add3A_398 = arith.addi %mul3A_48, %add3A_397 : vector<16xi32>
        tpu.vector_store_idx %arg10[%add3A_280, %add3A_398], %gather3A_395 : memref<64x128xf32, #tpu.memory_space<vmem>>[vector<16xi32>, vector<16xi32>], vector<16xf32>,
        %add3A_399 = arith.constant 17 : i32
        %add3A_400 = vector.broadcast %add3A_399 : i32 to vector<16xi32>
        %add3A_401 = arith.addi %mul3A_272, %add3A_400 : vector<16xi32>
        %gather3A_402 = tpu.vector_load_idx %arg8[%add3A_276, %add3A_401] : memref<256x128xf32, #tpu.memory_space<vmem>>[vector<16xi32>, vector<16xi32>], vector<16xf32>,
        %add3A_403 = arith.constant 17 : i32
        %add3A_404 = vector.broadcast %add3A_403 : i32 to vector<16xi32>
        %add3A_405 = arith.addi %mul3A_48, %add3A_404 : vector<16xi32>
        tpu.vector_store_idx %arg10[%add3A_280, %add3A_405], %gather3A_402 : memref<64x128xf32, #tpu.memory_space<vmem>>[vector<16xi32>, vector<16xi32>], vector<16xf32>,
        %add3A_406 = arith.constant 18 : i32
        %add3A_407 = vector.broadcast %add3A_406 : i32 to vector<16xi32>
        %add3A_408 = arith.addi %mul3A_272, %add3A_407 : vector<16xi32>
        %gather3A_409 = tpu.vector_load_idx %arg8[%add3A_276, %add3A_408] : memref<256x128xf32, #tpu.memory_space<vmem>>[vector<16xi32>, vector<16xi32>], vector<16xf32>,
        %add3A_410 = arith.constant 18 : i32
        %add3A_411 = vector.broadcast %add3A_410 : i32 to vector<16xi32>
        %add3A_412 = arith.addi %mul3A_48, %add3A_411 : vector<16xi32>
        tpu.vector_store_idx %arg10[%add3A_280, %add3A_412], %gather3A_409 : memref<64x128xf32, #tpu.memory_space<vmem>>[vector<16xi32>, vector<16xi32>], vector<16xf32>,
        %add3A_413 = arith.constant 19 : i32
        %add3A_414 = vector.broadcast %add3A_413 : i32 to vector<16xi32>
        %add3A_415 = arith.addi %mul3A_272, %add3A_414 : vector<16xi32>
        %gather3A_416 = tpu.vector_load_idx %arg8[%add3A_276, %add3A_415] : memref<256x128xf32, #tpu.memory_space<vmem>>[vector<16xi32>, vector<16xi32>], vector<16xf32>,
        %add3A_417 = arith.constant 19 : i32
        %add3A_418 = vector.broadcast %add3A_417 : i32 to vector<16xi32>
        %add3A_419 = arith.addi %mul3A_48, %add3A_418 : vector<16xi32>
        tpu.vector_store_idx %arg10[%add3A_280, %add3A_419], %gather3A_416 : memref<64x128xf32, #tpu.memory_space<vmem>>[vector<16xi32>, vector<16xi32>], vector<16xf32>,
        %add3A_420 = arith.constant 20 : i32
        %add3A_421 = vector.broadcast %add3A_420 : i32 to vector<16xi32>
        %add3A_422 = arith.addi %mul3A_272, %add3A_421 : vector<16xi32>
        %gather3A_423 = tpu.vector_load_idx %arg8[%add3A_276, %add3A_422] : memref<256x128xf32, #tpu.memory_space<vmem>>[vector<16xi32>, vector<16xi32>], vector<16xf32>,
        %add3A_424 = arith.constant 20 : i32
        %add3A_425 = vector.broadcast %add3A_424 : i32 to vector<16xi32>
        %add3A_426 = arith.addi %mul3A_48, %add3A_425 : vector<16xi32>
        tpu.vector_store_idx %arg10[%add3A_280, %add3A_426], %gather3A_423 : memref<64x128xf32, #tpu.memory_space<vmem>>[vector<16xi32>, vector<16xi32>], vector<16xf32>,
        %add3A_427 = arith.constant 21 : i32
        %add3A_428 = vector.broadcast %add3A_427 : i32 to vector<16xi32>
        %add3A_429 = arith.addi %mul3A_272, %add3A_428 : vector<16xi32>
        %gather3A_430 = tpu.vector_load_idx %arg8[%add3A_276, %add3A_429] : memref<256x128xf32, #tpu.memory_space<vmem>>[vector<16xi32>, vector<16xi32>], vector<16xf32>,
        %add3A_431 = arith.constant 21 : i32
        %add3A_432 = vector.broadcast %add3A_431 : i32 to vector<16xi32>
        %add3A_433 = arith.addi %mul3A_48, %add3A_432 : vector<16xi32>
        tpu.vector_store_idx %arg10[%add3A_280, %add3A_433], %gather3A_430 : memref<64x128xf32, #tpu.memory_space<vmem>>[vector<16xi32>, vector<16xi32>], vector<16xf32>,
        %add3A_434 = arith.constant 22 : i32
        %add3A_435 = vector.broadcast %add3A_434 : i32 to vector<16xi32>
        %add3A_436 = arith.addi %mul3A_272, %add3A_435 : vector<16xi32>
        %gather3A_437 = tpu.vector_load_idx %arg8[%add3A_276, %add3A_436] : memref<256x128xf32, #tpu.memory_space<vmem>>[vector<16xi32>, vector<16xi32>], vector<16xf32>,
        %add3A_438 = arith.constant 22 : i32
        %add3A_439 = vector.broadcast %add3A_438 : i32 to vector<16xi32>
        %add3A_440 = arith.addi %mul3A_48, %add3A_439 : vector<16xi32>
        tpu.vector_store_idx %arg10[%add3A_280, %add3A_440], %gather3A_437 : memref<64x128xf32, #tpu.memory_space<vmem>>[vector<16xi32>, vector<16xi32>], vector<16xf32>,
        %add3A_441 = arith.constant 23 : i32
        %add3A_442 = vector.broadcast %add3A_441 : i32 to vector<16xi32>
        %add3A_443 = arith.addi %mul3A_272, %add3A_442 : vector<16xi32>
        %gather3A_444 = tpu.vector_load_idx %arg8[%add3A_276, %add3A_443] : memref<256x128xf32, #tpu.memory_space<vmem>>[vector<16xi32>, vector<16xi32>], vector<16xf32>,
        %add3A_445 = arith.constant 23 : i32
        %add3A_446 = vector.broadcast %add3A_445 : i32 to vector<16xi32>
        %add3A_447 = arith.addi %mul3A_48, %add3A_446 : vector<16xi32>
        tpu.vector_store_idx %arg10[%add3A_280, %add3A_447], %gather3A_444 : memref<64x128xf32, #tpu.memory_space<vmem>>[vector<16xi32>, vector<16xi32>], vector<16xf32>,
        %add3A_448 = arith.constant 24 : i32
        %add3A_449 = vector.broadcast %add3A_448 : i32 to vector<16xi32>
        %add3A_450 = arith.addi %mul3A_272, %add3A_449 : vector<16xi32>
        %gather3A_451 = tpu.vector_load_idx %arg8[%add3A_276, %add3A_450] : memref<256x128xf32, #tpu.memory_space<vmem>>[vector<16xi32>, vector<16xi32>], vector<16xf32>,
        %add3A_452 = arith.constant 24 : i32
        %add3A_453 = vector.broadcast %add3A_452 : i32 to vector<16xi32>
        %add3A_454 = arith.addi %mul3A_48, %add3A_453 : vector<16xi32>
        tpu.vector_store_idx %arg10[%add3A_280, %add3A_454], %gather3A_451 : memref<64x128xf32, #tpu.memory_space<vmem>>[vector<16xi32>, vector<16xi32>], vector<16xf32>,
        %add3A_455 = arith.constant 25 : i32
        %add3A_456 = vector.broadcast %add3A_455 : i32 to vector<16xi32>
        %add3A_457 = arith.addi %mul3A_272, %add3A_456 : vector<16xi32>
        %gather3A_458 = tpu.vector_load_idx %arg8[%add3A_276, %add3A_457] : memref<256x128xf32, #tpu.memory_space<vmem>>[vector<16xi32>, vector<16xi32>], vector<16xf32>,
        %add3A_459 = arith.constant 25 : i32
        %add3A_460 = vector.broadcast %add3A_459 : i32 to vector<16xi32>
        %add3A_461 = arith.addi %mul3A_48, %add3A_460 : vector<16xi32>
        tpu.vector_store_idx %arg10[%add3A_280, %add3A_461], %gather3A_458 : memref<64x128xf32, #tpu.memory_space<vmem>>[vector<16xi32>, vector<16xi32>], vector<16xf32>,
        %add3A_462 = arith.constant 26 : i32
        %add3A_463 = vector.broadcast %add3A_462 : i32 to vector<16xi32>
        %add3A_464 = arith.addi %mul3A_272, %add3A_463 : vector<16xi32>
        %gather3A_465 = tpu.vector_load_idx %arg8[%add3A_276, %add3A_464] : memref<256x128xf32, #tpu.memory_space<vmem>>[vector<16xi32>, vector<16xi32>], vector<16xf32>,
        %add3A_466 = arith.constant 26 : i32
        %add3A_467 = vector.broadcast %add3A_466 : i32 to vector<16xi32>
        %add3A_468 = arith.addi %mul3A_48, %add3A_467 : vector<16xi32>
        tpu.vector_store_idx %arg10[%add3A_280, %add3A_468], %gather3A_465 : memref<64x128xf32, #tpu.memory_space<vmem>>[vector<16xi32>, vector<16xi32>], vector<16xf32>,
        %add3A_469 = arith.constant 27 : i32
        %add3A_470 = vector.broadcast %add3A_469 : i32 to vector<16xi32>
        %add3A_471 = arith.addi %mul3A_272, %add3A_470 : vector<16xi32>
        %gather3A_472 = tpu.vector_load_idx %arg8[%add3A_276, %add3A_471] : memref<256x128xf32, #tpu.memory_space<vmem>>[vector<16xi32>, vector<16xi32>], vector<16xf32>,
        %add3A_473 = arith.constant 27 : i32
        %add3A_474 = vector.broadcast %add3A_473 : i32 to vector<16xi32>
        %add3A_475 = arith.addi %mul3A_48, %add3A_474 : vector<16xi32>
        tpu.vector_store_idx %arg10[%add3A_280, %add3A_475], %gather3A_472 : memref<64x128xf32, #tpu.memory_space<vmem>>[vector<16xi32>, vector<16xi32>], vector<16xf32>,
        %add3A_476 = arith.constant 28 : i32
        %add3A_477 = vector.broadcast %add3A_476 : i32 to vector<16xi32>
        %add3A_478 = arith.addi %mul3A_272, %add3A_477 : vector<16xi32>
        %gather3A_479 = tpu.vector_load_idx %arg8[%add3A_276, %add3A_478] : memref<256x128xf32, #tpu.memory_space<vmem>>[vector<16xi32>, vector<16xi32>], vector<16xf32>,
        %add3A_480 = arith.constant 28 : i32
        %add3A_481 = vector.broadcast %add3A_480 : i32 to vector<16xi32>
        %add3A_482 = arith.addi %mul3A_48, %add3A_481 : vector<16xi32>
        tpu.vector_store_idx %arg10[%add3A_280, %add3A_482], %gather3A_479 : memref<64x128xf32, #tpu.memory_space<vmem>>[vector<16xi32>, vector<16xi32>], vector<16xf32>,
        %add3A_483 = arith.constant 29 : i32
        %add3A_484 = vector.broadcast %add3A_483 : i32 to vector<16xi32>
        %add3A_485 = arith.addi %mul3A_272, %add3A_484 : vector<16xi32>
        %gather3A_486 = tpu.vector_load_idx %arg8[%add3A_276, %add3A_485] : memref<256x128xf32, #tpu.memory_space<vmem>>[vector<16xi32>, vector<16xi32>], vector<16xf32>,
        %add3A_487 = arith.constant 29 : i32
        %add3A_488 = vector.broadcast %add3A_487 : i32 to vector<16xi32>
        %add3A_489 = arith.addi %mul3A_48, %add3A_488 : vector<16xi32>
        tpu.vector_store_idx %arg10[%add3A_280, %add3A_489], %gather3A_486 : memref<64x128xf32, #tpu.memory_space<vmem>>[vector<16xi32>, vector<16xi32>], vector<16xf32>,
        %add3A_490 = arith.constant 30 : i32
        %add3A_491 = vector.broadcast %add3A_490 : i32 to vector<16xi32>
        %add3A_492 = arith.addi %mul3A_272, %add3A_491 : vector<16xi32>
        %gather3A_493 = tpu.vector_load_idx %arg8[%add3A_276, %add3A_492] : memref<256x128xf32, #tpu.memory_space<vmem>>[vector<16xi32>, vector<16xi32>], vector<16xf32>,
        %add3A_494 = arith.constant 30 : i32
        %add3A_495 = vector.broadcast %add3A_494 : i32 to vector<16xi32>
        %add3A_496 = arith.addi %mul3A_48, %add3A_495 : vector<16xi32>
        tpu.vector_store_idx %arg10[%add3A_280, %add3A_496], %gather3A_493 : memref<64x128xf32, #tpu.memory_space<vmem>>[vector<16xi32>, vector<16xi32>], vector<16xf32>,
        %add3A_497 = arith.constant 31 : i32
        %add3A_498 = vector.broadcast %add3A_497 : i32 to vector<16xi32>
        %add3A_499 = arith.addi %mul3A_272, %add3A_498 : vector<16xi32>
        %gather3A_500 = tpu.vector_load_idx %arg8[%add3A_276, %add3A_499] : memref<256x128xf32, #tpu.memory_space<vmem>>[vector<16xi32>, vector<16xi32>], vector<16xf32>,
        %add3A_501 = arith.constant 31 : i32
        %add3A_502 = vector.broadcast %add3A_501 : i32 to vector<16xi32>
        %add3A_503 = arith.addi %mul3A_48, %add3A_502 : vector<16xi32>
        tpu.vector_store_idx %arg10[%add3A_280, %add3A_503], %gather3A_500 : memref<64x128xf32, #tpu.memory_space<vmem>>[vector<16xi32>, vector<16xi32>], vector<16xf32>,
        %scan3A_504 = arith.constant 0 : i32
        scf.yield %scan3A_504 : i32
      }
      %scan3A_205 = arith.constant 16 : i32
      %gt3A_206 = arith.constant 0 : i32
      %gt3A_207 = arith.cmpi sgt, %scan3A_94, %gt3A_206 : i32
      %convert_element_type3A_208 = arith.extui %gt3A_207 : i1 to i32
      %cond3A_209 = arith.constant 0 : i32
      %cond3A_210 = arith.cmpi ne, %convert_element_type3A_208, %cond3A_209 : i32
      scf.if %cond3A_210 {
        %sub3A_219 = arith.constant 2 : i32
        %sub3A_220 = arith.subi %add3A_99, %sub3A_219 : i32
        %mul3A_221 = arith.constant 64 : i32
        %mul3A_222 = arith.muli %sub3A_220, %mul3A_221 : i32
        %add3A_223 = arith.addi %mul3A_50, %mul3A_222 : i32
        %dma_wait3A_224 = arith.constant 0 : i32
        %dma_wait3A_225 = tpu.memref_slice %arg4[%add3A_223, %dma_wait3A_224] : memref<106496x128xf32, #tpu.memory_space<hbm>> -> memref<64x128xf32, #tpu.memory_space<hbm>>
        %dma_wait3A_226 = arith.constant 0 : i32
        %dma_wait3A_227 = tpu.memref_slice %arg4[%add3A_223, %dma_wait3A_226] : memref<106496x128xf32, #tpu.memory_space<hbm>> -> memref<64x128xf32, #tpu.memory_space<hbm>>
        tpu.wait_dma2 semaphore(%arg14 : memref<!tpu.dma_semaphore, #tpu.memory_space<semaphore_mem>>) src(%arg10 : memref<64x128xf32, #tpu.memory_space<vmem>>) dst(%dma_wait3A_227 : memref<64x128xf32, #tpu.memory_space<hbm>>)
      } else {
      }
      %mul3A_211 = arith.constant 64 : i32
      %mul3A_212 = arith.muli %add3A_99, %mul3A_211 : i32
      %add3A_213 = arith.addi %mul3A_50, %mul3A_212 : i32
      %dma_start3A_214 = arith.constant 0 : i32
      %dma_start3A_215 = tpu.memref_slice %arg4[%add3A_213, %dma_start3A_214] : memref<106496x128xf32, #tpu.memory_space<hbm>> -> memref<64x128xf32, #tpu.memory_space<hbm>>
      %dma_start3A_216 = arith.constant 0 : i32
      %dma_start3A_217 = tpu.memref_slice %arg4[%add3A_213, %dma_start3A_216] : memref<106496x128xf32, #tpu.memory_space<hbm>> -> memref<64x128xf32, #tpu.memory_space<hbm>>
      tpu.enqueue_dma source(%arg10 : memref<64x128xf32, #tpu.memory_space<vmem>>) target(%dma_start3A_217 : memref<64x128xf32, #tpu.memory_space<hbm>>) target_semaphore(%arg14 : memref<!tpu.dma_semaphore, #tpu.memory_space<semaphore_mem>>)
      %scan3A_218 = arith.constant 0 : i32
      scf.yield %scan3A_218 : i32
    }
    %scan3A_82 = arith.constant 26 : i32
    %add3A_83 = arith.constant 3200 : i32
    %add3A_84 = arith.addi %mul3A_50, %add3A_83 : i32
    %dma_wait3A = arith.constant 0 : i32
    %dma_wait3A_85 = tpu.memref_slice %arg4[%add3A_84, %dma_wait3A] : memref<106496x128xf32, #tpu.memory_space<hbm>> -> memref<64x128xf32, #tpu.memory_space<hbm>>
    %dma_wait3A_86 = arith.constant 0 : i32
    %dma_wait3A_87 = tpu.memref_slice %arg4[%add3A_84, %dma_wait3A_86] : memref<106496x128xf32, #tpu.memory_space<hbm>> -> memref<64x128xf32, #tpu.memory_space<hbm>>
    tpu.wait_dma2 semaphore(%arg13 : memref<!tpu.dma_semaphore, #tpu.memory_space<semaphore_mem>>) src(%arg9 : memref<64x128xf32, #tpu.memory_space<vmem>>) dst(%dma_wait3A_87 : memref<64x128xf32, #tpu.memory_space<hbm>>)
    %add3A_88 = arith.constant 3264 : i32
    %add3A_89 = arith.addi %mul3A_50, %add3A_88 : i32
    %dma_wait3A_90 = arith.constant 0 : i32
    %dma_wait3A_91 = tpu.memref_slice %arg4[%add3A_89, %dma_wait3A_90] : memref<106496x128xf32, #tpu.memory_space<hbm>> -> memref<64x128xf32, #tpu.memory_space<hbm>>
    %dma_wait3A_92 = arith.constant 0 : i32
    %dma_wait3A_93 = tpu.memref_slice %arg4[%add3A_89, %dma_wait3A_92] : memref<106496x128xf32, #tpu.memory_space<hbm>> -> memref<64x128xf32, #tpu.memory_space<hbm>>
    tpu.wait_dma2 semaphore(%arg14 : memref<!tpu.dma_semaphore, #tpu.memory_space<semaphore_mem>>) src(%arg10 : memref<64x128xf32, #tpu.memory_space<vmem>>) dst(%dma_wait3A_93 : memref<64x128xf32, #tpu.memory_space<hbm>>)
    return
  }
}

module attributes {stable_mosaic.version = 14 : i64} {
  func.func @_dequant_body(%arg0: i32, %arg1: memref<2048x32xi8, #tpu.memory_space<vmem>>, %arg2: memref<2048x32xi8, #tpu.memory_space<vmem>>, %arg3: memref<2048x32xi8, #tpu.memory_space<vmem>>, %arg4: memref<2048x32xi8, #tpu.memory_space<vmem>>, %arg5: memref<1x128xf32, #tpu.memory_space<vmem>>, %arg6: memref<2048x128xf32, #tpu.memory_space<vmem>>) attributes {dimension_semantics = [#tpu.dimension_semantics<arbitrary>], iteration_bounds = array<i64: 128>, scalar_prefetch = 0 : i64, scratch_operands = 0 : i64, tpu.core_type = #tpu.core_type<tc>, window_params = [{transform_indices = @transform_0, window_bounds = array<i64: 2048, 32>}, {transform_indices = @transform_1, window_bounds = array<i64: 2048, 32>}, {transform_indices = @transform_2, window_bounds = array<i64: 2048, 32>}, {transform_indices = @transform_3, window_bounds = array<i64: 2048, 32>}, {pipeline_mode = #tpu.pipeline_mode<synchronous>, transform_indices = @transform_4, window_bounds = array<i64: 1, 128>}, {transform_indices = @transform_5, window_bounds = array<i64: 2048, 128>}]} {
    %get3A = arith.constant 0 : index
    %get3A_0 = arith.constant 0 : index
    %get3A_1 = vector.load %arg1[%get3A, %get3A_0] : memref<2048x32xi8, #tpu.memory_space<vmem>>, vector<2048x32xi8>
    %get3A_2 = arith.constant 0 : index
    %get3A_3 = arith.constant 0 : index
    %get3A_4 = vector.load %arg2[%get3A_2, %get3A_3] : memref<2048x32xi8, #tpu.memory_space<vmem>>, vector<2048x32xi8>
    %get3A_5 = arith.constant 0 : index
    %get3A_6 = arith.constant 0 : index
    %get3A_7 = vector.load %arg3[%get3A_5, %get3A_6] : memref<2048x32xi8, #tpu.memory_space<vmem>>, vector<2048x32xi8>
    %get3A_8 = arith.constant 0 : index
    %get3A_9 = arith.constant 0 : index
    %get3A_10 = vector.load %arg4[%get3A_8, %get3A_9] : memref<2048x32xi8, #tpu.memory_space<vmem>>, vector<2048x32xi8>
    %convert_element_type3A = arith.sitofp %get3A_1 : vector<2048x32xi8> to vector<2048x32xf32>
    %convert_element_type3A_11 = arith.sitofp %get3A_4 : vector<2048x32xi8> to vector<2048x32xf32>
    %convert_element_type3A_12 = arith.sitofp %get3A_7 : vector<2048x32xi8> to vector<2048x32xf32>
    %convert_element_type3A_13 = arith.sitofp %get3A_10 : vector<2048x32xi8> to vector<2048x32xf32>
    %concatenate3A = tpu.concatenate %convert_element_type3A, %convert_element_type3A_11, %convert_element_type3A_12, %convert_element_type3A_13 in 1 : vector<2048x32xf32>, vector<2048x32xf32>, vector<2048x32xf32>, vector<2048x32xf32> -> vector<2048x128xf32>
    %get3A_14 = arith.constant 0 : index
    %get3A_15 = arith.constant 0 : index
    %get3A_16 = vector.load %arg5[%get3A_14, %get3A_15] : memref<1x128xf32, #tpu.memory_space<vmem>>, vector<1x128xf32>
    %mul3A = vector.broadcast %get3A_16 : vector<1x128xf32> to vector<2048x128xf32>
    %mul3A_17 = arith.mulf %concatenate3A, %mul3A : vector<2048x128xf32>
    %swap3A = arith.constant 0 : index
    %swap3A_18 = arith.constant 0 : index
    %swap3A_19 = vector.load %arg6[%swap3A, %swap3A_18] : memref<2048x128xf32, #tpu.memory_space<vmem>>, vector<2048x128xf32>
    tpu.vector_store %arg6[%swap3A, %swap3A_18], %mul3A_17 {strides = array<i32>} : memref<2048x128xf32, #tpu.memory_space<vmem>>, vector<2048x128xf32>,
    return
  }
  func.func @transform_0(%arg0: i32) -> (i32, i32) {
    %add3A = arith.constant 0 : i32
    %add3A_0 = arith.addi %add3A, %arg0 : i32
    %c0_i32 = arith.constant 0 : i32
    %c0_i32_1 = arith.constant 0 : i32
    return %add3A_0, %c0_i32 : i32, i32
  }
  func.func @transform_1(%arg0: i32) -> (i32, i32) {
    %add3A = arith.constant 128 : i32
    %add3A_0 = arith.addi %add3A, %arg0 : i32
    %c0_i32 = arith.constant 0 : i32
    %c0_i32_1 = arith.constant 0 : i32
    return %add3A_0, %c0_i32 : i32, i32
  }
  func.func @transform_2(%arg0: i32) -> (i32, i32) {
    %add3A = arith.constant 256 : i32
    %add3A_0 = arith.addi %add3A, %arg0 : i32
    %c0_i32 = arith.constant 0 : i32
    %c0_i32_1 = arith.constant 0 : i32
    return %add3A_0, %c0_i32 : i32, i32
  }
  func.func @transform_3(%arg0: i32) -> (i32, i32) {
    %add3A = arith.constant 384 : i32
    %add3A_0 = arith.addi %add3A, %arg0 : i32
    %c0_i32 = arith.constant 0 : i32
    %c0_i32_1 = arith.constant 0 : i32
    return %add3A_0, %c0_i32 : i32, i32
  }
  func.func @transform_4(%arg0: i32) -> (i32, i32) {
    %c0_i32 = arith.constant 0 : i32
    %c0_i32_0 = arith.constant 0 : i32
    %c0_i32_1 = arith.constant 0 : i32
    return %c0_i32, %c0_i32_0 : i32, i32
  }
  func.func @transform_5(%arg0: i32) -> (i32, i32) {
    %c0_i32 = arith.constant 0 : i32
    %c0_i32_0 = arith.constant 0 : i32
    return %arg0, %c0_i32 : i32, i32
  }
}

</mosaic_0001>

<sc_bundles>
// kernel: kernel.4.cloned.1.call-start
scs
__scs_entry_jumppad:
0x0: {  	(pc) =	sbr.rel $0x88, $3  }
0x1: {  	(tag) =	ssettag $0x0;
	lr =	simm.s32 $0x1  }
0x2: {  	[smem:$0x3F9E] =	sst lr;
	_ =	strace $0xD0000000  }
0x3: {  	_ = 	snop  }
0x4: {  	_ = 	snop  }
0x5: {  	_ = 	snop  }
0x6: {  	_ = 	snop  }
0x7: {  	_ = 	snop  }
__scs_overlays_trampoline_lowered:
0x8: {  	[smem:$0x3FAD] =	sst s0  }
0x9: {  	[smem:$0x3FAE] =	sst s1  }
0xa: {  	[smem:$0x3FAF] =	sst s2  }
0xb: {  	[smem:$0x3FB0] =	sst s3  }
0xc: {  	[smem:$0x3FB1] =	sst s4  }
0xd: {  	[smem:$0x3FB2] =	sst s5  }
0xe: {  	[smem:$0x3FB3] =	sst s6  }
0xf: {  	[smem:$0x3FB4] =	sst s7  }
0x10: {  	[smem:$0x3FB5] =	sst s8  }
0x11: {  	[smem:$0x3FB6] =	sst s9;
	s0 =	simm.s32 @!p0 $0x0  }
0x12: {  	s1 =	sld [smem:$0x3F9C];
	s0 =	simm.s32 @p0 $0x1  }
0x13: {  	[smem:$0x3FB7] =	sst s0;
	s0 =	simm.s32 @!p1 $0x0  }
0x14: {  	s2 =	sld [smem:$0x3F9B];
	s0 =	simm.s32 @p1 $0x1  }
0x15: {  	[smem:$0x3FB8] =	sst s0;
	s0 =	simm.s32 @!p2 $0x0  }
0x16: {  	s3 =	sld [smem:$0x3FDB];
	s0 =	simm.s32 @p2 $0x1  }
0x17: {  	s4 =	simm.s32 $0x1BF5;
	[smem:$0x3FBA] =	sst s0  }
0x18: {  	s0 =	sld [smem:$0x3F9D];
	_ =	swait.ge [sflag:s4], $0x0  }
0x19: {  	s7 =	sld [smem:$0x3F9E]  }
0x1a: {  	s8 =	sadd.s32 $0xFFFFE003, lr  }
0x1b: {  	s9 =	sadd.s32 $0xFFFFFEF7, lr;
	s5 =	simm.s32 $0xFFFFFFFF;
	p2 =	slt.u32 s8, $0xFFFFF086  }
0x1c: {  	p1 =	slt.u32 s9, $0xF7A;
	s5 =	simm.s32 @!p2 $0x0  }
0x1d: {  	s5 =	simm.s32 @p1 $0x1;
	p0 =	seq.s32 s7, s2  }
0x1e: {  	s7 =	smul.u32 @!p0 $0xF7A, s2;
	p2 =	seq.s32 @!p0 s5, $0x0  }
0x1f: {  	s9 =	smul.u32 $0xF7A, s1;
	s8 =	simm.s32 @!p0 $0x1BF5;
	p2 =	por !p2, p0  }
0x20: {  	[sflag:s8] =	ssyncset.s32 @!p0 $0xFFFFF086;
	s6 =	sadd.s32 @!p0 s3, s7;
	s7 =	simm.s32 @!p0 $0x108  }
0x21: {  	s3 =	sadd.s32 s3, s9;
	s6 =	sadd.s32 @!p0 $0x88, s6;
	s7 =	simm.s32 @p2 $0x1082  }
0x22: {  	[simem:s7], [sflag:s8] =	dma.local @!p0 [hbm:s6], $0xF7A  }
0x23: {  	s9 =	sor.u32 $0xD0000000, s2;
	s6 =	simm.s32 $0x108;
	_ =	swait.ge @!p0 [sflag:s8], $0x0  }
0x24: {  	s3 =	sadd.s32 $0x88, s3;
	s6 =	simm.s32 @!p1 $0x1082;
	[sflag:s4] =	ssyncset.s32 $0xFFFFF086  }
0x25: {  	[simem:s6], [sflag:s4] =	dma.local [hbm:s3], $0xF7A  }
0x26: {  	[smem:$0x3F9E] =	sst s1;
	(tag) =	ssettag s2;
	_ =	strace s9  }
0x27: {  	s1 =	sld [smem:$0x3FAE]  }
0x28: {  	s2 =	sld [smem:$0x3FAF]  }
0x29: {  	s4 =	sld [smem:$0x3FB1]  }
0x2a: {  	p0 =	seq.s32 s5, $0x0;
	s5 =	sld [smem:$0x3FB2]  }
0x2b: {  	s6 =	sld [smem:$0x3FB3]  }
0x2c: {  	s7 =	sld [smem:$0x3FB4]  }
0x2d: {  	s3 =	simm.s32 $0x108;
	s8 =	sld [smem:$0x3FB5]  }
0x2e: {  	s3 =	simm.s32 @!p0 $0x1082;
	s9 =	sld [smem:$0x3FB6]  }
0x2f: {  	lr =	sadd.s32 s0, s3;
	s0 =	sld [smem:$0x3FAD]  }
0x30: {  	s3 =	sld [smem:$0x3FB0]  }
0x31: {  	[smem:$0x3FB9] =	sst s10  }
0x32: {  	s10 =	sld [smem:$0x3FB7];
	_ =	sdelay $0x3  }
0x33: {  	p0 =	seq.s32 s10, $0x1;
	s10 =	sld [smem:$0x3FB9];
	_ =	sdelay $0x3  }
0x34: {  	[smem:$0x3FB9] =	sst s10  }
0x35: {  	s10 =	sld [smem:$0x3FB8];
	_ =	sdelay $0x3  }
0x36: {  	p1 =	seq.s32 s10, $0x1;
	s10 =	sld [smem:$0x3FB9];
	_ =	sdelay $0x3  }
0x37: {  	[smem:$0x3FB9] =	sst s10  }
0x38: {  	s10 =	sld [smem:$0x3FBA]  }
0x39: {  	_ = 	snop;
	(pc) =	sbr.ind lr, $3  }
0x3a: {  	_ = 	snop  }
0x3b: {  	_ = 	snop  }
0x3c: {  	p2 =	seq.s32 s10, $0x1;
	s10 =	sld [smem:$0x3FB9]  }
0x3d: {  	_ =	shalt  }
0x3e: {  	_ =	shalt  }
0x3f: {  	_ =	shalt  }
0x40: {  	_ =	shalt  }
0x41: {  	_ =	shalt  }
0x42: {  	_ =	shalt  }
0x43: {  	_ =	shalt  }
0x44: {  	_ =	shalt  }
0x45: {  	_ =	shalt  }
0x46: {  	_ =	shalt  }
0x47: {  	_ =	shalt  }
0x48: {  	_ =	shalt  }
0x49: {  	_ =	shalt  }
0x4a: {  	_ =	shalt  }
0x4b: {  	_ =	shalt  }
0x4c: {  	_ =	shalt  }
0x4d: {  	_ =	shalt  }
0x4e: {  	_ =	shalt  }
0x4f: {  	_ =	shalt  }
0x50: {  	_ =	shalt  }
0x51: {  	_ =	shalt  }
0x52: {  	_ =	shalt  }
0x53: {  	_ =	shalt  }
0x54: {  	_ =	shalt  }
0x55: {  	_ =	shalt  }
0x56: {  	_ =	shalt  }
0x57: {  	_ =	shalt  }
0x58: {  	_ =	shalt  }
0x59: {  	_ =	shalt  }
0x5a: {  	_ =	shalt  }
0x5b: {  	_ =	shalt  }
0x5c: {  	_ =	shalt  }
0x5d: {  	_ =	shalt  }
0x5e: {  	_ =	shalt  }
0x5f: {  	_ =	shalt  }
0x60: {  	_ =	shalt  }
0x61: {  	_ =	shalt  }
0x62: {  	_ =	shalt  }
0x63: {  	_ =	shalt  }
0x64: {  	_ =	shalt  }
0x65: {  	_ =	shalt  }
0x66: {  	_ =	shalt  }
0x67: {  	_ =	shalt  }
0x68: {  	_ =	shalt  }
0x69: {  	_ =	shalt  }
0x6a: {  	_ =	shalt  }
0x6b: {  	_ =	shalt  }
0x6c: {  	_ =	shalt  }
0x6d: {  	_ =	shalt  }
0x6e: {  	_ =	shalt  }
0x6f: {  	_ =	shalt  }
0x70: {  	_ =	shalt  }
0x71: {  	_ =	shalt  }
0x72: {  	_ =	shalt  }
0x73: {  	_ =	shalt  }
0x74: {  	_ =	shalt  }
0x75: {  	_ =	shalt  }
0x76: {  	_ =	shalt  }
0x77: {  	_ =	shalt  }
0x78: {  	_ =	shalt  }
0x79: {  	_ =	shalt  }
0x7a: {  	_ =	shalt  }
0x7b: {  	_ =	shalt  }
0x7c: {  	_ =	shalt  }
0x7d: {  	_ =	shalt  }
0x7e: {  	_ =	shalt  }
0x7f: {  	_ =	shalt  }
0x80: {  	_ =	shalt  }
0x81: {  	_ =	shalt  }
0x82: {  	_ =	shalt  }
0x83: {  	_ =	shalt  }
0x84: {  	_ =	shalt  }
0x85: {  	_ =	shalt  }
0x86: {  	_ =	shalt  }
0x87: {  	_ =	shalt  }
.Lfunc_end0:
.L_simem_size_0:
called_computation.1_lowered:
.L_overlay_start_0:
0x88: {  	s2 =	sld [smem:$0x3FD9]  }
0x89: {  	s3 =	sld [smem:$0x3FFE];
	_ =	sdelay $0x1  }
0x8a: {  	s1 =	srdreg.scid  }
0x8b: {  	s0 =	sand.u32 $0x1, s1  }
0x8c: {  	s17 =	sshll.u32 s0, $0xA;
	s2 =	sadd.s32 s3, s2  }
0x8d: {  	s2 =	sadd.s32 s2, s17  }
0x8e: {  	[smem:$0x3FC5] =	sst s2  }
0x8f: {  	_ = 	snop  }
0x90: {  	s2 =	sld [smem:$0x3FD0];
	(tm) =	ssettm $0x1  }
0x91: {  	s18 =	sld [smem:$0x3FFB];
	_ =	sdelay $0x3  }
0x92: {  	_ =	strace s18  }
0x93: {  	s3 =	sld [smem:$0x3FFC];
	_ =	sdelay $0x3  }
0x94: {  	_ =	strace s3  }
0x95: {  	s3 =	sld [smem:$0x3FFD];
	_ =	sdelay $0x3  }
0x96: {  	_ =	strace s3  }
0x97: {  	_ =	strace $0x8FFFFFFF  }
0x98: {  	s19 =	sld [smem:$0x3FDB];
	_ =	sdelay $0x1  }
0x99: {  	s4 =	simm.s32 $_scs_section_size  }
0x9a: {  	s5 =	simm.s32 $_size__tile_overlayer_lowered;
	s6 =	simm.s32 $_tile_overlayer_lowered  }
0x9b: {  	s22 =	simm.s32 $0x1BFF;
	s21 =	sshll.u32 s6, $0x1;
	s3 =	sadd.s32 s4, s19  }
0x9c: {  	s7 =	simm.s32 $0x0;
	s20 =	sshll.u32 s5, $0x1;
	s5 =	sadd.s32 s21, s3  }
0x9d: {  	[timem:s7], [sflag:s22] =	dma.local [hbm:s5], s20  }
0x9e: {  	_ =	swait.ge [sflag:s22], s20  }
0x9f: {  	s4 =	ssub.s32 $0x0, s20;
	[sflag:s22] =	ssyncset.done $0x0  }
0xa0: {  	[sflag:s22] =	ssyncadd.s32 s4;
	_ =	sdelay $0x1  }
0xa1: {  	s23 =	simm.s32 $0x1B8B  }
0xa2: {  	_ =	swait.ge [sflag:s23], $0x1  }
0xa3: {  	[sflag:s23] =	ssyncset.done $0x0  }
0xa4: {  	s25 =	simm.s32 $0x1B8E;
	s24 =	sld [smem:$0x3FFE];
	[sflag:s23] =	ssyncadd.s32 $0xFFFFFFFF  }
0xa5: {  	s26 =	simm.s32 $execute0_lowered;
	[smem:$0x3FD2] =	sst s25  }
0xa6: {  	s5 =	sshll.u32 s26, $0x1;
	_ =	strace $0x80000046;
	[dreg:$0x1] =	wrdreg $0xFFFFFFFF  }
0xa7: {  	s28 =	simm.s32 $_size_execute0_lowered;
	s3 =	sadd.s32 s3, s5;
	[dreg:$0x0] =	wrdreg $0x0  }
0xa8: {  	s5 =	sshll.u32 s28, $0x1;
	[dreg:$0x2] =	wrdreg s3  }
0xa9: {  	[dreg:$0x3] =	wrdreg s5  }
0xaa: {  	[dreg:$0x4] =	wrdreg $0xC0  }
0xab: {  	_ =	task [dreg:s7], $0x5FFFF  }
0xac: {  	[dreg:$0x1] =	wrdreg $0xFFFFFFFF  }
0xad: {  	[dreg:$0x0] =	wrdreg $0x60  }
0xae: {  	[dreg:$0x2] =	wrdreg s24  }
0xaf: {  	[dreg:$0x3] =	wrdreg s2  }
0xb0: {  	[dreg:$0x4] =	wrdreg $0x9  }
0xb1: {  	_ =	task.clear_ibuf [dreg:s7], $0x5FFFF;
	_ =	strace $0x90000046  }
0xb2: {  	s29 =	simm.s32 $0x9;
	_ =	strace $0x80000048  }
0xb3: {  	_ =	swait.ge [sflag:s29], $0x1  }
0xb4: {  	[sflag:s29] =	ssyncadd.s32 $0xFFFFFFFF  }
0xb5: {  	_ =	strace $0x90000048  }
0xb6: {  	_ =	sfence  }
0xb7: {  	s30 =	sld [smem:$0x0];
	_ =	sdelay $0x2  }
0xb8: {  	s31 =	sshll.u32 s1, $0xD;
	s1 =	sshrl.u32 s1, $0x2  }
0xb9: {  	s3 =	sand.u32 $0x4000, s31;
	s1 =	sadd.s32 s1, s30  }
0xba: {  	s0 =	sor.u32 s3, s0;
	s1 =	sshll.u32 s1, $0x11  }
0xbb: {  	s0 =	sor.u32 s1, s0  }
0xbc: {  	s0 =	sadd.s32 $0x8F2B, s0  }
0xbd: {  	[sflag:s0] =	ssyncadd.remote.s32 $0x1  }
0xbe: {  	_ =	sfence.sel $0xFFFF  }
0xbf: {  	[dreg:$0x0] =	wrdreg $0xFFFFFFFF;
	(pc) =	sbr.abs _section_cstart, $3  }
0xc0: {  	[dreg:$0x1] =	wrdreg $0xFFFFFFFF  }
0xc1: {  	_ =	task.clear_ibuf [dreg:s7], $0x2FFFF;
	_ =	strace $0x9FFFFFFF  }
0xc2: {  	(tm) =	ssettm $0x7FFFFFFF  }
0xc3: {  	_ =	shalt  }
tec
execute0_lowered:
.L_overlay_start_1:
0x0: {  	(tag) =	ssettag $0x1  }
0x1: {  	v1 =	vlaneseq.u32  }
0x2: {  	v0 =	vand.u32 $0x3, v1  }
0x3: {  	v0 =	vmul.u32 $0x20, v0  }
0x4: {  	s0 =	rddreg [dreg:$0x0];
	v2 =	vshrl.u32 v1, $0x2  }
0x5: {  	s1 =	srdreg.scid;
	s3 =	stileid.u32;
	v1 =	vmul.u32 $0x80, v1;
	v2 =	vmul.u32 $0x80, v2;
	v3 =	vor.u32 $0x1, v0  }
0x6: {  	s2 =	rddreg [dreg:$0x1];
	s8 =	simm.s32 $0x5;
	s9 =	simm.s32 $0x80;
	v4 =	vor.u32 $0x2, v0;
	v5 =	vor.u32 $0x3, v0;
	v6 =	vor.u32 $0x4, v0  }
0x7: {  	s11 =	simm.s32 $0x6800;
	s13 =	simm.s32 $0xA800;
	s14 =	simm.s32 $0xE800;
	v7 =	vor.u32 $0x5, v0;
	v8 =	vor.u32 $0x6, v0;
	v9 =	vor.u32 $0x7, v0  }
0x8: {  	s15 =	simm.s32 $0x12800;
	s16 =	simm.s32 $0x1;
	s17 =	simm.s32 $0x16800;
	v10 =	vor.u32 $0x8, v0;
	v11 =	vor.u32 $0x9, v0;
	v12 =	vor.u32 $0xA, v0  }
0x9: {  	s18 =	simm.s32 $0x2;
	s19 =	simm.s32 $0x18800;
	s20 =	simm.s32 $0x3;
	v13 =	vor.u32 $0xB, v0;
	v14 =	vor.u32 $0xC, v0;
	v15 =	vor.u32 $0xD, v0  }
0xa: {  	s21 =	simm.s32 $0x4;
	s1 =	sand.u32 $0x1, s1;
	s4 =	sshll.u32 s3, $0x1;
	v16 =	vor.u32 $0xE, v0;
	v17 =	vor.u32 $0xF, v0;
	v18 =	vor.u32 $0x10, v0  }
0xb: {  	s22 =	simm.s32 $0x0;
	s3 =	simm.s32 $0x0;
	s6 =	sor.u32 s1, s4;
	v19 =	vor.u32 $0x11, v0;
	v20 =	vor.u32 $0x12, v0;
	v21 =	vor.u32 $0x13, v0  }
0xc: {  	[smem:$0x7FF] =	sst s3;
	s1 =	ssub.s32 $0x2, s1;
	s4 =	smul.u32 $0x680, s6;
	v22 =	vor.u32 $0x14, v0;
	v23 =	vor.u32 $0x15, v0;
	v24 =	vor.u32 $0x16, v0  }
0xd: {  	s23 =	simm.s32 $0x0;
	_ =	strace $0x80000047;
	s5 =	sshrl.u32 s1, $0x1;
	v25 =	vor.u32 $0x17, v0;
	v26 =	vor.u32 $0x18, v0;
	v27 =	vor.u32 $0x19, v0  }
0xe: {  	s6 =	smul.u32 $0x68000, s6;
	s31 =	ssub.s32 s1, s5;
	v28 =	vor.u32 $0x1A, v0;
	v29 =	vor.u32 $0x1B, v0;
	v30 =	vor.u32 $0x1C, v0;
	s7 =	sadd.s32 s4, s0  }
0xf: {  	v31 =	vor.u32 $0x1D, v0;
	v32 =	vor.u32 $0x1E, v0;
	v33 =	vor.u32 $0x1F, v0;
	s4 =	sadd.s32 $0x7DE200, s0;
	s5 =	sadd.s32 $0x800, s7;
	s7 =	smax.u32 s31, $0x1  }
.LBB2_1:
0x10: {  	[tilespmem:s3], [sflag:$0x5] =	stream.linear.gather [hbm4b:s5+s3], $0x3400, $0x38;
	[tilespmem:$0x1A800] =	vst v63  }
0x11: {  	_ =	swait.ge [sflag:s8], $0x3400  }
0x12: {  	[sflag:s8] =	ssyncset.done $0x0  }
0x13: {  	s0 =	simm.s32 $0x0;
	[sflag:s8] =	ssyncadd.s32 $0xFFFFCC00  }
0x14: {  	s1 =	simm.s32 $0x40;
	v34 =	vld [tilespmem:s0+$0x0]  }
.LBB2_2:
0x15: {  	p0 =	sne.s32 s1, $0xCFC0  }
.Ltmp0:
0x16: {  	_ = 	snop;
	(pc) =	sbr.rel @p0 .LBB2_2-.Ltmp0, $3  }
0x17: {  	_ =	sdelay $0x1  }
0x18: {  	s10 =	sshra.s32 s1, $0x2;
	s1 =	sadd.s32 $0x40, s1;
	v35 =	vand.u32 $0x3FFFF, v34  }
0x19: {  	v34 =	vld [tilespmem:s10+$0x0];
	[tilespmem:s0+$0x3400] =	vst v35;
	s0 =	smov.u32 s10  }
0x1a: {  	_ =	sdelay $0x3  }
0x1b: {  	v34 =	vand.u32 $0x3FFFF, v34  }
0x1c: {  	s30 =	simm.s32 $0x3400;
	[tilespmem:s0+$0x3400] =	vst v34  }
0x1d: {  	[tilespmem:s11], [sflag:$0x1] =	stream.indirect.gather [hbm4b:s4+s9], $0x80, s30, s9, $0xb8;
	[tilespmem:$0x1A800] =	vst v63  }
0x1e: {  	s31 =	simm.s32 $0x3480;
	s24 =	simm.s32 $0x0  }
0x1f: {  	[tilespmem:s13], [sflag:$0x1] =	stream.indirect.gather [hbm4b:s4+s9], $0x80, s31, s9, $0xb8;
	[tilespmem:$0x1A800] =	vst v63  }
.LBB2_4:
0x20: {  	s25 =	sshllo.u32 s24, $0x1  }
0x21: {  	s0 =	sshll.u32 s25, $0xA  }
0x22: {  	s26 =	sshrl.u32 s0, $0x2  }
0x23: {  	s0 =	sadd.s32 $0x3400, s26  }
0x24: {  	[tilespmem:s14], [sflag:$0x2] =	stream.indirect.gather [hbm4b:s4+s9], $0x80, s0, s9, $0xb8;
	[tilespmem:$0x1A800] =	vst v63  }
0x25: {  	s1 =	sadd.s32 $0x3480, s26  }
0x26: {  	[tilespmem:s15], [sflag:$0x2] =	stream.indirect.gather [hbm4b:s4+s9], $0x80, s1, s9, $0xb8;
	[tilespmem:$0x1A800] =	vst v63  }
0x27: {  	_ =	swait.ge [sflag:s16], $0x4000  }
0x28: {  	[sflag:s16] =	ssyncset.done $0x0  }
0x29: {  	s28 =	sshll.u32 s24, $0xB;
	s10 =	sand.u32 $0x200, s23;
	[sflag:s16] =	ssyncadd.s32 $0xFFFFC000  }
0x2a: {  	s29 =	sshrl.u32 s28, $0x2;
	s0 =	sshrl.u32 s10, $0x2;
	_ =	swait.ge [sflag:s16], $0x4000  }
0x2b: {  	s0 =	sadd.s32 s0, s29;
	s1 =	sand.u32 $0x70, s23;
	[sflag:s16] =	ssyncset.done $0x0  }
0x2c: {  	s0 =	sadd.s32 s1, s0;
	[sflag:s16] =	ssyncadd.s32 $0xFFFFC000  }
0x2d: {  	v34 =	vld [tilespmem:s0+$0x0];
	_ =	sdelay $0x3  }
0x2e: {  	v35 =	vmov s23  }
0x2f: {  	v35 =	vshll.u32 v35, $0x7;
	v34 =	vshra.s32 v34, $0xD  }
0x30: {  	v36 =	vor.u32 v1, v35;
	v34 =	vand.u32 $0xFFFFFFE0, v34  }
0x31: {  	v36 =	vadd.s32 v36, v34;
	_ =	sdelay $0x3  }
0x32: {  	v34 =	vor.u32 v2, v35  }
0x33: {  	v37 =	vor.u32 v0, v34;
	v52 =	vld.idx.msk [tilespmem:v36+s11+$0x0], $0xffff  }
0x34: {  	v38 =	vor.u32 $0x1, v36;
	_ =	sdelay $0x3  }
0x35: {  	[tilespmem:v37+s17+$0x0] =	vst.idx.msk $0xffff, v52  }
0x36: {  	v53 =	vor.u32 v3, v34;
	v35 =	vld.idx.msk [tilespmem:v38+s11+$0x0], $0xffff  }
0x37: {  	v54 =	vor.u32 $0x2, v36;
	_ =	sdelay $0x3  }
0x38: {  	[tilespmem:v53+s17+$0x0] =	vst.idx.msk $0xffff, v35  }
0x39: {  	v55 =	vor.u32 v4, v34;
	v35 =	vld.idx.msk [tilespmem:v54+s11+$0x0], $0xffff  }
0x3a: {  	v56 =	vor.u32 $0x3, v36;
	_ =	sdelay $0x3  }
0x3b: {  	[tilespmem:v55+s17+$0x0] =	vst.idx.msk $0xffff, v35  }
0x3c: {  	v57 =	vor.u32 v5, v34;
	v35 =	vld.idx.msk [tilespmem:v56+s11+$0x0], $0xffff  }
0x3d: {  	v58 =	vor.u32 $0x4, v36;
	_ =	sdelay $0x3  }
0x3e: {  	[tilespmem:v57+s17+$0x0] =	vst.idx.msk $0xffff, v35  }
0x3f: {  	v59 =	vor.u32 v6, v34;
	v35 =	vld.idx.msk [tilespmem:v58+s11+$0x0], $0xffff  }
0x40: {  	v60 =	vor.u32 $0x5, v36;
	_ =	sdelay $0x3  }
0x41: {  	[tilespmem:v59+s17+$0x0] =	vst.idx.msk $0xffff, v35  }
0x42: {  	v61 =	vor.u32 v7, v34;
	v35 =	vld.idx.msk [tilespmem:v60+s11+$0x0], $0xffff  }
0x43: {  	v62 =	vor.u32 $0x6, v36;
	_ =	sdelay $0x3  }
0x44: {  	[tilespmem:v61+s17+$0x0] =	vst.idx.msk $0xffff, v35  }
0x45: {  	v63 =	vor.u32 v8, v34;
	v35 =	vld.idx.msk [tilespmem:v62+s11+$0x0], $0xffff  }
0x46: {  	v40 =	vor.u32 $0x7, v36;
	_ =	sdelay $0x3  }
0x47: {  	[tilespmem:v63+s17+$0x0] =	vst.idx.msk $0xffff, v35  }
0x48: {  	v41 =	vor.u32 v9, v34;
	v35 =	vld.idx.msk [tilespmem:v40+s11+$0x0], $0xffff  }
0x49: {  	v42 =	vor.u32 $0x8, v36;
	_ =	sdelay $0x3  }
0x4a: {  	[tilespmem:v41+s17+$0x0] =	vst.idx.msk $0xffff, v35  }
0x4b: {  	v43 =	vor.u32 v10, v34;
	v35 =	vld.idx.msk [tilespmem:v42+s11+$0x0], $0xffff  }
0x4c: {  	v44 =	vor.u32 $0x9, v36;
	_ =	sdelay $0x3  }
0x4d: {  	[tilespmem:v43+s17+$0x0] =	vst.idx.msk $0xffff, v35  }
0x4e: {  	v45 =	vor.u32 v11, v34;
	v35 =	vld.idx.msk [tilespmem:v44+s11+$0x0], $0xffff  }
0x4f: {  	v46 =	vor.u32 $0xA, v36;
	_ =	sdelay $0x3  }
0x50: {  	[tilespmem:v45+s17+$0x0] =	vst.idx.msk $0xffff, v35  }
0x51: {  	v47 =	vor.u32 v12, v34;
	v35 =	vld.idx.msk [tilespmem:v46+s11+$0x0], $0xffff  }
0x52: {  	v48 =	vor.u32 $0xB, v36;
	_ =	sdelay $0x3  }
0x53: {  	[tilespmem:v47+s17+$0x0] =	vst.idx.msk $0xffff, v35  }
0x54: {  	v49 =	vor.u32 v13, v34;
	v35 =	vld.idx.msk [tilespmem:v48+s11+$0x0], $0xffff  }
0x55: {  	v50 =	vor.u32 $0xC, v36;
	_ =	sdelay $0x3  }
0x56: {  	[tilespmem:v49+s17+$0x0] =	vst.idx.msk $0xffff, v35  }
0x57: {  	v51 =	vor.u32 v14, v34;
	v35 =	vld.idx.msk [tilespmem:v50+s11+$0x0], $0xffff  }
0x58: {  	v52 =	vor.u32 $0xD, v36;
	_ =	sdelay $0x3  }
0x59: {  	[tilespmem:v51+s17+$0x0] =	vst.idx.msk $0xffff, v35  }
0x5a: {  	v53 =	vor.u32 v15, v34;
	v35 =	vld.idx.msk [tilespmem:v52+s11+$0x0], $0xffff  }
0x5b: {  	v54 =	vor.u32 $0xE, v36;
	_ =	sdelay $0x3  }
0x5c: {  	[tilespmem:v53+s17+$0x0] =	vst.idx.msk $0xffff, v35  }
0x5d: {  	v55 =	vor.u32 v16, v34;
	v35 =	vld.idx.msk [tilespmem:v54+s11+$0x0], $0xffff  }
0x5e: {  	v56 =	vor.u32 $0xF, v36;
	_ =	sdelay $0x3  }
0x5f: {  	[tilespmem:v55+s17+$0x0] =	vst.idx.msk $0xffff, v35  }
0x60: {  	v57 =	vor.u32 v17, v34;
	v35 =	vld.idx.msk [tilespmem:v56+s11+$0x0], $0xffff  }
0x61: {  	v58 =	vor.u32 $0x10, v36;
	_ =	sdelay $0x3  }
0x62: {  	[tilespmem:v57+s17+$0x0] =	vst.idx.msk $0xffff, v35  }
0x63: {  	v59 =	vor.u32 v18, v34;
	v35 =	vld.idx.msk [tilespmem:v58+s11+$0x0], $0xffff  }
0x64: {  	v60 =	vor.u32 $0x11, v36;
	_ =	sdelay $0x3  }
0x65: {  	[tilespmem:v59+s17+$0x0] =	vst.idx.msk $0xffff, v35  }
0x66: {  	v61 =	vor.u32 v19, v34;
	v35 =	vld.idx.msk [tilespmem:v60+s11+$0x0], $0xffff  }
0x67: {  	v62 =	vor.u32 $0x12, v36;
	_ =	sdelay $0x3  }
0x68: {  	[tilespmem:v61+s17+$0x0] =	vst.idx.msk $0xffff, v35  }
0x69: {  	v63 =	vor.u32 v20, v34;
	v35 =	vld.idx.msk [tilespmem:v62+s11+$0x0], $0xffff  }
0x6a: {  	v40 =	vor.u32 $0x13, v36;
	_ =	sdelay $0x3  }
0x6b: {  	[tilespmem:v63+s17+$0x0] =	vst.idx.msk $0xffff, v35  }
0x6c: {  	v41 =	vor.u32 v21, v34;
	v35 =	vld.idx.msk [tilespmem:v40+s11+$0x0], $0xffff  }
0x6d: {  	v42 =	vor.u32 $0x14, v36;
	_ =	sdelay $0x3  }
0x6e: {  	[tilespmem:v41+s17+$0x0] =	vst.idx.msk $0xffff, v35  }
0x6f: {  	v43 =	vor.u32 v22, v34;
	v35 =	vld.idx.msk [tilespmem:v42+s11+$0x0], $0xffff  }
0x70: {  	v44 =	vor.u32 $0x15, v36;
	_ =	sdelay $0x3  }
0x71: {  	[tilespmem:v43+s17+$0x0] =	vst.idx.msk $0xffff, v35  }
0x72: {  	v45 =	vor.u32 v23, v34;
	v35 =	vld.idx.msk [tilespmem:v44+s11+$0x0], $0xffff  }
0x73: {  	v46 =	vor.u32 $0x16, v36;
	_ =	sdelay $0x3  }
0x74: {  	[tilespmem:v45+s17+$0x0] =	vst.idx.msk $0xffff, v35  }
0x75: {  	v47 =	vor.u32 v24, v34;
	v35 =	vld.idx.msk [tilespmem:v46+s11+$0x0], $0xffff  }
0x76: {  	v48 =	vor.u32 $0x17, v36;
	_ =	sdelay $0x3  }
0x77: {  	[tilespmem:v47+s17+$0x0] =	vst.idx.msk $0xffff, v35  }
0x78: {  	v49 =	vor.u32 v25, v34;
	v35 =	vld.idx.msk [tilespmem:v48+s11+$0x0], $0xffff  }
0x79: {  	v50 =	vor.u32 $0x18, v36;
	_ =	sdelay $0x3  }
0x7a: {  	[tilespmem:v49+s17+$0x0] =	vst.idx.msk $0xffff, v35  }
0x7b: {  	v51 =	vor.u32 v26, v34;
	v35 =	vld.idx.msk [tilespmem:v50+s11+$0x0], $0xffff  }
0x7c: {  	v52 =	vor.u32 $0x19, v36;
	_ =	sdelay $0x3  }
0x7d: {  	[tilespmem:v51+s17+$0x0] =	vst.idx.msk $0xffff, v35  }
0x7e: {  	v53 =	vor.u32 v27, v34;
	v35 =	vld.idx.msk [tilespmem:v52+s11+$0x0], $0xffff  }
0x7f: {  	v54 =	vor.u32 $0x1A, v36;
	_ =	sdelay $0x3  }
0x80: {  	[tilespmem:v53+s17+$0x0] =	vst.idx.msk $0xffff, v35  }
0x81: {  	v55 =	vor.u32 v28, v34;
	v35 =	vld.idx.msk [tilespmem:v54+s11+$0x0], $0xffff  }
0x82: {  	v56 =	vor.u32 $0x1B, v36;
	_ =	sdelay $0x3  }
0x83: {  	[tilespmem:v55+s17+$0x0] =	vst.idx.msk $0xffff, v35  }
0x84: {  	v57 =	vor.u32 v29, v34;
	v35 =	vld.idx.msk [tilespmem:v56+s11+$0x0], $0xffff  }
0x85: {  	v58 =	vor.u32 $0x1C, v36;
	_ =	sdelay $0x3  }
0x86: {  	[tilespmem:v57+s17+$0x0] =	vst.idx.msk $0xffff, v35  }
0x87: {  	v59 =	vor.u32 v30, v34;
	v35 =	vld.idx.msk [tilespmem:v58+s11+$0x0], $0xffff  }
0x88: {  	v60 =	vor.u32 $0x1D, v36;
	_ =	sdelay $0x3  }
0x89: {  	[tilespmem:v59+s17+$0x0] =	vst.idx.msk $0xffff, v35  }
0x8a: {  	v61 =	vor.u32 v31, v34;
	v35 =	vld.idx.msk [tilespmem:v60+s11+$0x0], $0xffff  }
0x8b: {  	v62 =	vor.u32 $0x1E, v36;
	_ =	sdelay $0x3  }
0x8c: {  	[tilespmem:v61+s17+$0x0] =	vst.idx.msk $0xffff, v35  }
0x8d: {  	v63 =	vor.u32 v32, v34;
	v35 =	vld.idx.msk [tilespmem:v62+s11+$0x0], $0xffff  }
0x8e: {  	v36 =	vor.u32 $0x1F, v36;
	_ =	sdelay $0x3  }
0x8f: {  	[tilespmem:v63+s17+$0x0] =	vst.idx.msk $0xffff, v35  }
0x90: {  	s12 =	simm.s32 $0x40;
	v34 =	vor.u32 v33, v34;
	v36 =	vld.idx.msk [tilespmem:v36+s11+$0x0], $0xffff  }
0x91: {  	s0 =	sand.u32 $0x200, s12  }
0x92: {  	s31 =	simm.s32 $0x10;
	s30 =	simm.s32 $0x0;
	s10 =	sshrl.u32 s0, $0x2  }
0x93: {  	s1 =	simm.s32 $0x80;
	s0 =	sand.u32 $0x70, s31;
	s12 =	sadd.s32 s10, s29  }
.LBB2_5:
0x94: {  	s12 =	sadd.s32 s0, s12  }
0x95: {  	[tilespmem:v34+s17+$0x0] =	vst.idx.msk $0xffff, v36;
	s30 =	sadd.s32 $0x4, s30;
	s0 =	smov.u32 s1;
	s10 =	sadd.s32 $0x40, s1  }
0x96: {  	p0 =	sne.s32 s1, $0x3C0;
	v34 =	vld [tilespmem:s12+$0x0];
	_ =	sdelay $0x3  }
0x97: {  	v35 =	vmov s31  }
0x98: {  	v35 =	vshll.u32 v35, $0x7;
	v34 =	vshra.s32 v34, $0xD  }
0x99: {  	v35 =	vor.u32 v1, v35;
	v34 =	vand.u32 $0xFFFFFFE0, v34  }
0x9a: {  	v34 =	vadd.s32 v35, v34;
	_ =	sdelay $0x2  }
0x9b: {  	v35 =	vmov s30  }
0x9c: {  	v35 =	vshll.u32 v35, $0x7  }
0x9d: {  	v35 =	vor.u32 v2, v35;
	v36 =	vld.idx.msk [tilespmem:v34+s11+$0x0], $0xffff  }
0x9e: {  	v37 =	vor.u32 v0, v35  }
0x9f: {  	v38 =	vor.u32 $0x1, v34;
	_ =	sdelay $0x3  }
0xa0: {  	[tilespmem:v37+s17+$0x0] =	vst.idx.msk $0xffff, v36  }
0xa1: {  	v36 =	vld.idx.msk [tilespmem:v38+s11+$0x0], $0xffff  }
0xa2: {  	v37 =	vor.u32 v3, v35  }
0xa3: {  	v38 =	vor.u32 $0x2, v34;
	_ =	sdelay $0x3  }
0xa4: {  	[tilespmem:v37+s17+$0x0] =	vst.idx.msk $0xffff, v36  }
0xa5: {  	v36 =	vld.idx.msk [tilespmem:v38+s11+$0x0], $0xffff  }
0xa6: {  	v37 =	vor.u32 v4, v35  }
0xa7: {  	v38 =	vor.u32 $0x3, v34;
	_ =	sdelay $0x3  }
0xa8: {  	[tilespmem:v37+s17+$0x0] =	vst.idx.msk $0xffff, v36  }
0xa9: {  	v36 =	vld.idx.msk [tilespmem:v38+s11+$0x0], $0xffff  }
0xaa: {  	v37 =	vor.u32 v5, v35  }
0xab: {  	v38 =	vor.u32 $0x4, v34;
	_ =	sdelay $0x3  }
0xac: {  	[tilespmem:v37+s17+$0x0] =	vst.idx.msk $0xffff, v36  }
0xad: {  	v36 =	vld.idx.msk [tilespmem:v38+s11+$0x0], $0xffff  }
0xae: {  	v37 =	vor.u32 v6, v35  }
0xaf: {  	v38 =	vor.u32 $0x5, v34;
	_ =	sdelay $0x3  }
0xb0: {  	[tilespmem:v37+s17+$0x0] =	vst.idx.msk $0xffff, v36  }
0xb1: {  	v36 =	vld.idx.msk [tilespmem:v38+s11+$0x0], $0xffff  }
0xb2: {  	v37 =	vor.u32 v7, v35  }
0xb3: {  	v38 =	vor.u32 $0x6, v34;
	_ =	sdelay $0x3  }
0xb4: {  	[tilespmem:v37+s17+$0x0] =	vst.idx.msk $0xffff, v36  }
0xb5: {  	v36 =	vld.idx.msk [tilespmem:v38+s11+$0x0], $0xffff  }
0xb6: {  	v37 =	vor.u32 v8, v35  }
0xb7: {  	v38 =	vor.u32 $0x7, v34;
	_ =	sdelay $0x3  }
0xb8: {  	[tilespmem:v37+s17+$0x0] =	vst.idx.msk $0xffff, v36  }
0xb9: {  	v36 =	vld.idx.msk [tilespmem:v38+s11+$0x0], $0xffff  }
0xba: {  	v37 =	vor.u32 v9, v35  }
0xbb: {  	v38 =	vor.u32 $0x8, v34;
	_ =	sdelay $0x3  }
0xbc: {  	[tilespmem:v37+s17+$0x0] =	vst.idx.msk $0xffff, v36  }
0xbd: {  	v36 =	vld.idx.msk [tilespmem:v38+s11+$0x0], $0xffff  }
0xbe: {  	v37 =	vor.u32 v10, v35  }
0xbf: {  	v38 =	vor.u32 $0x9, v34;
	_ =	sdelay $0x3  }
0xc0: {  	[tilespmem:v37+s17+$0x0] =	vst.idx.msk $0xffff, v36  }
0xc1: {  	v36 =	vld.idx.msk [tilespmem:v38+s11+$0x0], $0xffff  }
0xc2: {  	v37 =	vor.u32 v11, v35  }
0xc3: {  	v38 =	vor.u32 $0xA, v34;
	_ =	sdelay $0x3  }
0xc4: {  	[tilespmem:v37+s17+$0x0] =	vst.idx.msk $0xffff, v36  }
0xc5: {  	v36 =	vld.idx.msk [tilespmem:v38+s11+$0x0], $0xffff  }
0xc6: {  	v37 =	vor.u32 v12, v35  }
0xc7: {  	v38 =	vor.u32 $0xB, v34;
	_ =	sdelay $0x3  }
0xc8: {  	[tilespmem:v37+s17+$0x0] =	vst.idx.msk $0xffff, v36  }
0xc9: {  	v36 =	vld.idx.msk [tilespmem:v38+s11+$0x0], $0xffff  }
0xca: {  	v37 =	vor.u32 v13, v35  }
0xcb: {  	v38 =	vor.u32 $0xC, v34;
	_ =	sdelay $0x3  }
0xcc: {  	[tilespmem:v37+s17+$0x0] =	vst.idx.msk $0xffff, v36  }
0xcd: {  	v36 =	vld.idx.msk [tilespmem:v38+s11+$0x0], $0xffff  }
0xce: {  	v37 =	vor.u32 v14, v35  }
0xcf: {  	v38 =	vor.u32 $0xD, v34;
	_ =	sdelay $0x3  }
0xd0: {  	[tilespmem:v37+s17+$0x0] =	vst.idx.msk $0xffff, v36  }
0xd1: {  	v36 =	vld.idx.msk [tilespmem:v38+s11+$0x0], $0xffff  }
0xd2: {  	v37 =	vor.u32 v15, v35  }
0xd3: {  	v38 =	vor.u32 $0xE, v34;
	_ =	sdelay $0x3  }
0xd4: {  	[tilespmem:v37+s17+$0x0] =	vst.idx.msk $0xffff, v36  }
0xd5: {  	v36 =	vld.idx.msk [tilespmem:v38+s11+$0x0], $0xffff  }
0xd6: {  	v37 =	vor.u32 v16, v35  }
0xd7: {  	v38 =	vor.u32 $0xF, v34;
	_ =	sdelay $0x3  }
0xd8: {  	[tilespmem:v37+s17+$0x0] =	vst.idx.msk $0xffff, v36  }
0xd9: {  	v36 =	vld.idx.msk [tilespmem:v38+s11+$0x0], $0xffff  }
0xda: {  	v37 =	vor.u32 v17, v35  }
0xdb: {  	v38 =	vor.u32 $0x10, v34;
	_ =	sdelay $0x3  }
0xdc: {  	[tilespmem:v37+s17+$0x0] =	vst.idx.msk $0xffff, v36  }
0xdd: {  	v36 =	vld.idx.msk [tilespmem:v38+s11+$0x0], $0xffff  }
0xde: {  	v37 =	vor.u32 v18, v35  }
0xdf: {  	v38 =	vor.u32 $0x11, v34;
	_ =	sdelay $0x3  }
0xe0: {  	[tilespmem:v37+s17+$0x0] =	vst.idx.msk $0xffff, v36  }
0xe1: {  	v36 =	vld.idx.msk [tilespmem:v38+s11+$0x0], $0xffff  }
0xe2: {  	v37 =	vor.u32 v19, v35  }
0xe3: {  	v38 =	vor.u32 $0x12, v34;
	_ =	sdelay $0x3  }
0xe4: {  	[tilespmem:v37+s17+$0x0] =	vst.idx.msk $0xffff, v36  }
0xe5: {  	v36 =	vld.idx.msk [tilespmem:v38+s11+$0x0], $0xffff  }
0xe6: {  	v37 =	vor.u32 v20, v35  }
0xe7: {  	v38 =	vor.u32 $0x13, v34;
	_ =	sdelay $0x3  }
0xe8: {  	[tilespmem:v37+s17+$0x0] =	vst.idx.msk $0xffff, v36  }
0xe9: {  	v36 =	vld.idx.msk [tilespmem:v38+s11+$0x0], $0xffff  }
0xea: {  	v37 =	vor.u32 v21, v35  }
0xeb: {  	v38 =	vor.u32 $0x14, v34;
	_ =	sdelay $0x3  }
0xec: {  	[tilespmem:v37+s17+$0x0] =	vst.idx.msk $0xffff, v36  }
0xed: {  	v36 =	vld.idx.msk [tilespmem:v38+s11+$0x0], $0xffff  }
0xee: {  	v37 =	vor.u32 v22, v35  }
0xef: {  	v38 =	vor.u32 $0x15, v34;
	_ =	sdelay $0x3  }
0xf0: {  	[tilespmem:v37+s17+$0x0] =	vst.idx.msk $0xffff, v36  }
0xf1: {  	v36 =	vld.idx.msk [tilespmem:v38+s11+$0x0], $0xffff  }
0xf2: {  	v37 =	vor.u32 v23, v35  }
0xf3: {  	v38 =	vor.u32 $0x16, v34;
	_ =	sdelay $0x3  }
0xf4: {  	[tilespmem:v37+s17+$0x0] =	vst.idx.msk $0xffff, v36  }
0xf5: {  	v36 =	vld.idx.msk [tilespmem:v38+s11+$0x0], $0xffff  }
0xf6: {  	v37 =	vor.u32 v24, v35  }
0xf7: {  	v38 =	vor.u32 $0x17, v34;
	_ =	sdelay $0x3  }
0xf8: {  	[tilespmem:v37+s17+$0x0] =	vst.idx.msk $0xffff, v36  }
0xf9: {  	v36 =	vld.idx.msk [tilespmem:v38+s11+$0x0], $0xffff  }
0xfa: {  	v37 =	vor.u32 v25, v35  }
0xfb: {  	v38 =	vor.u32 $0x18, v34;
	_ =	sdelay $0x3  }
0xfc: {  	[tilespmem:v37+s17+$0x0] =	vst.idx.msk $0xffff, v36  }
0xfd: {  	v36 =	vld.idx.msk [tilespmem:v38+s11+$0x0], $0xffff  }
0xfe: {  	v37 =	vor.u32 v26, v35  }
0xff: {  	v38 =	vor.u32 $0x19, v34;
	_ =	sdelay $0x3  }
0x100: {  	[tilespmem:v37+s17+$0x0] =	vst.idx.msk $0xffff, v36  }
0x101: {  	v36 =	vld.idx.msk [tilespmem:v38+s11+$0x0], $0xffff  }
0x102: {  	v37 =	vor.u32 v27, v35  }
0x103: {  	v38 =	vor.u32 $0x1A, v34;
	_ =	sdelay $0x3  }
0x104: {  	[tilespmem:v37+s17+$0x0] =	vst.idx.msk $0xffff, v36  }
0x105: {  	v36 =	vld.idx.msk [tilespmem:v38+s11+$0x0], $0xffff  }
0x106: {  	v37 =	vor.u32 v28, v35  }
0x107: {  	v38 =	vor.u32 $0x1B, v34;
	_ =	sdelay $0x3  }
0x108: {  	[tilespmem:v37+s17+$0x0] =	vst.idx.msk $0xffff, v36  }
0x109: {  	v36 =	vld.idx.msk [tilespmem:v38+s11+$0x0], $0xffff  }
0x10a: {  	v37 =	vor.u32 v29, v35  }
0x10b: {  	v38 =	vor.u32 $0x1C, v34;
	_ =	sdelay $0x3  }
0x10c: {  	[tilespmem:v37+s17+$0x0] =	vst.idx.msk $0xffff, v36  }
0x10d: {  	v36 =	vld.idx.msk [tilespmem:v38+s11+$0x0], $0xffff  }
0x10e: {  	v37 =	vor.u32 v30, v35  }
0x10f: {  	v38 =	vor.u32 $0x1D, v34;
	_ =	sdelay $0x3  }
0x110: {  	[tilespmem:v37+s17+$0x0] =	vst.idx.msk $0xffff, v36  }
0x111: {  	v36 =	vld.idx.msk [tilespmem:v38+s11+$0x0], $0xffff  }
0x112: {  	v37 =	vor.u32 v31, v35  }
0x113: {  	v38 =	vor.u32 $0x1E, v34;
	_ =	sdelay $0x3  }
0x114: {  	[tilespmem:v37+s17+$0x0] =	vst.idx.msk $0xffff, v36  }
0x115: {  	v36 =	vld.idx.msk [tilespmem:v38+s11+$0x0], $0xffff  }
0x116: {  	v37 =	vor.u32 v32, v35  }
0x117: {  	v34 =	vor.u32 $0x1F, v34;
	_ =	sdelay $0x3  }
0x118: {  	[tilespmem:v37+s17+$0x0] =	vst.idx.msk $0xffff, v36  }
0x119: {  	v36 =	vld.idx.msk [tilespmem:v34+s11+$0x0], $0xffff  }
.Ltmp1:
0x11a: {  	v34 =	vor.u32 v33, v35;
	(pc) =	sbr.rel @p0 .LBB2_5-.Ltmp1, $4  }
0x11b: {  	_ = 	snop  }
0x11c: {  	s0 =	sand.u32 $0x200, s0  }
0x11d: {  	s31 =	sadd.s32 $0x10, s31;
	s1 =	sshrl.u32 s0, $0x2  }
0x11e: {  	s0 =	sand.u32 $0x70, s31;
	s12 =	sadd.s32 s1, s29;
	s1 =	smov.u32 s10  }
0x11f: {  	_ =	sdelay $0x3  }
0x120: {  	s0 =	sadd.s32 s0, s12;
	[tilespmem:v34+s17+$0x0] =	vst.idx.msk $0xffff, v36  }
0x121: {  	v34 =	vld [tilespmem:s0+$0x0];
	_ =	sdelay $0x3  }
0x122: {  	v35 =	vmov s31  }
0x123: {  	v35 =	vshll.u32 v35, $0x7;
	v34 =	vshra.s32 v34, $0xD  }
0x124: {  	v35 =	vor.u32 v1, v35;
	v34 =	vand.u32 $0xFFFFFFE0, v34  }
0x125: {  	v34 =	vadd.s32 v35, v34  }
0x126: {  	s31 =	sadd.s32 $0x4, s30  }
0x127: {  	v59 =	vmov s31  }
0x128: {  	v35 =	vshll.u32 v59, $0x7  }
0x129: {  	v35 =	vor.u32 v2, v35  }
0x12a: {  	v37 =	vor.u32 v0, v35;
	v36 =	vld.idx.msk [tilespmem:v34+s11+$0x0], $0xffff  }
0x12b: {  	v38 =	vor.u32 $0x1, v34;
	_ =	sdelay $0x3  }
0x12c: {  	[tilespmem:v37+s17+$0x0] =	vst.idx.msk $0xffff, v36  }
0x12d: {  	v60 =	vor.u32 v3, v35;
	v36 =	vld.idx.msk [tilespmem:v38+s11+$0x0], $0xffff  }
0x12e: {  	v61 =	vor.u32 $0x2, v34;
	_ =	sdelay $0x3  }
0x12f: {  	[tilespmem:v60+s17+$0x0] =	vst.idx.msk $0xffff, v36  }
0x130: {  	v62 =	vor.u32 v4, v35;
	v36 =	vld.idx.msk [tilespmem:v61+s11+$0x0], $0xffff  }
0x131: {  	v63 =	vor.u32 $0x3, v34;
	_ =	sdelay $0x3  }
0x132: {  	[tilespmem:v62+s17+$0x0] =	vst.idx.msk $0xffff, v36  }
0x133: {  	v40 =	vor.u32 v5, v35;
	v36 =	vld.idx.msk [tilespmem:v63+s11+$0x0], $0xffff  }
0x134: {  	v41 =	vor.u32 $0x4, v34;
	_ =	sdelay $0x3  }
0x135: {  	[tilespmem:v40+s17+$0x0] =	vst.idx.msk $0xffff, v36  }
0x136: {  	v42 =	vor.u32 v6, v35;
	v36 =	vld.idx.msk [tilespmem:v41+s11+$0x0], $0xffff  }
0x137: {  	v43 =	vor.u32 $0x5, v34;
	_ =	sdelay $0x3  }
0x138: {  	[tilespmem:v42+s17+$0x0] =	vst.idx.msk $0xffff, v36  }
0x139: {  	v44 =	vor.u32 v7, v35;
	v36 =	vld.idx.msk [tilespmem:v43+s11+$0x0], $0xffff  }
0x13a: {  	v45 =	vor.u32 $0x6, v34;
	_ =	sdelay $0x3  }
0x13b: {  	[tilespmem:v44+s17+$0x0] =	vst.idx.msk $0xffff, v36  }
0x13c: {  	v46 =	vor.u32 v8, v35;
	v36 =	vld.idx.msk [tilespmem:v45+s11+$0x0], $0xffff  }
0x13d: {  	v47 =	vor.u32 $0x7, v34;
	_ =	sdelay $0x3  }
0x13e: {  	[tilespmem:v46+s17+$0x0] =	vst.idx.msk $0xffff, v36  }
0x13f: {  	v48 =	vor.u32 v9, v35;
	v36 =	vld.idx.msk [tilespmem:v47+s11+$0x0], $0xffff  }
0x140: {  	v49 =	vor.u32 $0x8, v34;
	_ =	sdelay $0x3  }
0x141: {  	[tilespmem:v48+s17+$0x0] =	vst.idx.msk $0xffff, v36  }
0x142: {  	v50 =	vor.u32 v10, v35;
	v36 =	vld.idx.msk [tilespmem:v49+s11+$0x0], $0xffff  }
0x143: {  	v51 =	vor.u32 $0x9, v34;
	_ =	sdelay $0x3  }
0x144: {  	[tilespmem:v50+s17+$0x0] =	vst.idx.msk $0xffff, v36  }
0x145: {  	v52 =	vor.u32 v11, v35;
	v36 =	vld.idx.msk [tilespmem:v51+s11+$0x0], $0xffff  }
0x146: {  	v53 =	vor.u32 $0xA, v34;
	_ =	sdelay $0x3  }
0x147: {  	[tilespmem:v52+s17+$0x0] =	vst.idx.msk $0xffff, v36  }
0x148: {  	v54 =	vor.u32 v12, v35;
	v36 =	vld.idx.msk [tilespmem:v53+s11+$0x0], $0xffff  }
0x149: {  	v55 =	vor.u32 $0xB, v34;
	_ =	sdelay $0x3  }
0x14a: {  	[tilespmem:v54+s17+$0x0] =	vst.idx.msk $0xffff, v36  }
0x14b: {  	v56 =	vor.u32 v13, v35;
	v36 =	vld.idx.msk [tilespmem:v55+s11+$0x0], $0xffff  }
0x14c: {  	v57 =	vor.u32 $0xC, v34;
	_ =	sdelay $0x3  }
0x14d: {  	[tilespmem:v56+s17+$0x0] =	vst.idx.msk $0xffff, v36  }
0x14e: {  	v58 =	vor.u32 v14, v35;
	v36 =	vld.idx.msk [tilespmem:v57+s11+$0x0], $0xffff  }
0x14f: {  	v59 =	vor.u32 $0xD, v34;
	_ =	sdelay $0x3  }
0x150: {  	[tilespmem:v58+s17+$0x0] =	vst.idx.msk $0xffff, v36  }
0x151: {  	v60 =	vor.u32 v15, v35;
	v36 =	vld.idx.msk [tilespmem:v59+s11+$0x0], $0xffff  }
0x152: {  	v61 =	vor.u32 $0xE, v34;
	_ =	sdelay $0x3  }
0x153: {  	[tilespmem:v60+s17+$0x0] =	vst.idx.msk $0xffff, v36  }
0x154: {  	v62 =	vor.u32 v16, v35;
	v36 =	vld.idx.msk [tilespmem:v61+s11+$0x0], $0xffff  }
0x155: {  	v63 =	vor.u32 $0xF, v34;
	_ =	sdelay $0x3  }
0x156: {  	[tilespmem:v62+s17+$0x0] =	vst.idx.msk $0xffff, v36  }
0x157: {  	v40 =	vor.u32 v17, v35;
	v36 =	vld.idx.msk [tilespmem:v63+s11+$0x0], $0xffff  }
0x158: {  	v41 =	vor.u32 $0x10, v34;
	_ =	sdelay $0x3  }
0x159: {  	[tilespmem:v40+s17+$0x0] =	vst.idx.msk $0xffff, v36  }
0x15a: {  	v42 =	vor.u32 v18, v35;
	v36 =	vld.idx.msk [tilespmem:v41+s11+$0x0], $0xffff  }
0x15b: {  	v43 =	vor.u32 $0x11, v34;
	_ =	sdelay $0x3  }
0x15c: {  	[tilespmem:v42+s17+$0x0] =	vst.idx.msk $0xffff, v36  }
0x15d: {  	v44 =	vor.u32 v19, v35;
	v36 =	vld.idx.msk [tilespmem:v43+s11+$0x0], $0xffff  }
0x15e: {  	v45 =	vor.u32 $0x12, v34;
	_ =	sdelay $0x3  }
0x15f: {  	[tilespmem:v44+s17+$0x0] =	vst.idx.msk $0xffff, v36  }
0x160: {  	v46 =	vor.u32 v20, v35;
	v36 =	vld.idx.msk [tilespmem:v45+s11+$0x0], $0xffff  }
0x161: {  	v47 =	vor.u32 $0x13, v34;
	_ =	sdelay $0x3  }
0x162: {  	[tilespmem:v46+s17+$0x0] =	vst.idx.msk $0xffff, v36  }
0x163: {  	v48 =	vor.u32 v21, v35;
	v36 =	vld.idx.msk [tilespmem:v47+s11+$0x0], $0xffff  }
0x164: {  	v49 =	vor.u32 $0x14, v34;
	_ =	sdelay $0x3  }
0x165: {  	[tilespmem:v48+s17+$0x0] =	vst.idx.msk $0xffff, v36  }
0x166: {  	v50 =	vor.u32 v22, v35;
	v36 =	vld.idx.msk [tilespmem:v49+s11+$0x0], $0xffff  }
0x167: {  	v51 =	vor.u32 $0x15, v34;
	_ =	sdelay $0x3  }
0x168: {  	[tilespmem:v50+s17+$0x0] =	vst.idx.msk $0xffff, v36  }
0x169: {  	v52 =	vor.u32 v23, v35;
	v36 =	vld.idx.msk [tilespmem:v51+s11+$0x0], $0xffff  }
0x16a: {  	v53 =	vor.u32 $0x16, v34;
	_ =	sdelay $0x3  }
0x16b: {  	[tilespmem:v52+s17+$0x0] =	vst.idx.msk $0xffff, v36  }
0x16c: {  	v54 =	vor.u32 v24, v35;
	v36 =	vld.idx.msk [tilespmem:v53+s11+$0x0], $0xffff  }
0x16d: {  	v55 =	vor.u32 $0x17, v34;
	_ =	sdelay $0x3  }
0x16e: {  	[tilespmem:v54+s17+$0x0] =	vst.idx.msk $0xffff, v36  }
0x16f: {  	v56 =	vor.u32 v25, v35;
	v36 =	vld.idx.msk [tilespmem:v55+s11+$0x0], $0xffff  }
0x170: {  	v57 =	vor.u32 $0x18, v34;
	_ =	sdelay $0x3  }
0x171: {  	[tilespmem:v56+s17+$0x0] =	vst.idx.msk $0xffff, v36  }
0x172: {  	v58 =	vor.u32 v26, v35;
	v36 =	vld.idx.msk [tilespmem:v57+s11+$0x0], $0xffff  }
0x173: {  	v59 =	vor.u32 $0x19, v34;
	_ =	sdelay $0x3  }
0x174: {  	[tilespmem:v58+s17+$0x0] =	vst.idx.msk $0xffff, v36  }
0x175: {  	v60 =	vor.u32 v27, v35;
	v36 =	vld.idx.msk [tilespmem:v59+s11+$0x0], $0xffff  }
0x176: {  	v61 =	vor.u32 $0x1A, v34;
	_ =	sdelay $0x3  }
0x177: {  	[tilespmem:v60+s17+$0x0] =	vst.idx.msk $0xffff, v36  }
0x178: {  	v62 =	vor.u32 v28, v35;
	v36 =	vld.idx.msk [tilespmem:v61+s11+$0x0], $0xffff  }
0x179: {  	v63 =	vor.u32 $0x1B, v34;
	_ =	sdelay $0x3  }
0x17a: {  	[tilespmem:v62+s17+$0x0] =	vst.idx.msk $0xffff, v36  }
0x17b: {  	v40 =	vor.u32 v29, v35;
	v36 =	vld.idx.msk [tilespmem:v63+s11+$0x0], $0xffff  }
0x17c: {  	v41 =	vor.u32 $0x1C, v34;
	_ =	sdelay $0x3  }
0x17d: {  	[tilespmem:v40+s17+$0x0] =	vst.idx.msk $0xffff, v36  }
0x17e: {  	v42 =	vor.u32 v30, v35;
	v36 =	vld.idx.msk [tilespmem:v41+s11+$0x0], $0xffff  }
0x17f: {  	v43 =	vor.u32 $0x1D, v34;
	_ =	sdelay $0x3  }
0x180: {  	[tilespmem:v42+s17+$0x0] =	vst.idx.msk $0xffff, v36  }
0x181: {  	v44 =	vor.u32 v31, v35;
	v36 =	vld.idx.msk [tilespmem:v43+s11+$0x0], $0xffff  }
0x182: {  	v45 =	vor.u32 $0x1E, v34;
	_ =	sdelay $0x3  }
0x183: {  	[tilespmem:v44+s17+$0x0] =	vst.idx.msk $0xffff, v36  }
0x184: {  	v46 =	vor.u32 v32, v35;
	v36 =	vld.idx.msk [tilespmem:v45+s11+$0x0], $0xffff  }
0x185: {  	v34 =	vor.u32 $0x1F, v34;
	_ =	sdelay $0x3  }
0x186: {  	[tilespmem:v46+s17+$0x0] =	vst.idx.msk $0xffff, v36  }
0x187: {  	v35 =	vor.u32 v33, v35;
	v34 =	vld.idx.msk [tilespmem:v34+s11+$0x0], $0xffff;
	_ =	sdelay $0x3  }
0x188: {  	p0 =	seq.s32 s24, $0x0  }
0x189: {  	s1 =	sshll.u32 s24, $0xE;
	s0 =	simm.s32 @!p0 $0x3;
	[tilespmem:v35+s17+$0x0] =	vst.idx.msk $0xffff, v34  }
0x18a: {  	s1 =	sadd.s32 s6, s1;
	_ =	swait.ge @!p0 [sflag:s0], $0x2000  }
0x18b: {  	p1 =	seq.s32 s24, $0x19;
	s1 =	sshrl.u32 s1, $0x3;
	[sflag:s0] =	ssyncset.done @!p0 $0x0  }
0x18c: {  	s1 =	sadd.s32 s2, s1;
	[sflag:s0] =	ssyncadd.s32 @!p0 $0xFFFFE000;
	s0 =	sshrl.u32 @!p1 s28, $0x2  }
0x18d: {  	[hbm4b:s1+s3] =	stream.linear.scatter [tilespmem:s17], [sflag:$0x3], $0x2000, $0x38;
	[tilespmem:$0x1A800] =	vst v63  }
0x18e: {  	s10 =	simm.s32 @!p1 $0x80;
	s12 =	simm.s32 @!p1 $0x6800;
	s1 =	sadd.s32 @!p1 $0x3600, s0  }
0x18f: {  	[tilespmem:s12], [sflag:$0x1] =	stream.indirect.gather @!p1 [hbm4b:s4+s10], $0x80, s1, s10, $0xb8;
	[tilespmem:$0x1A800] =	vst v63  }
0x190: {  	s0 =	sadd.s32 @!p1 $0x3680, s0;
	s1 =	simm.s32 @!p1 $0xA800  }
0x191: {  	[tilespmem:s1], [sflag:$0x1] =	stream.indirect.gather @!p1 [hbm4b:s4+s10], $0x80, s0, s10, $0xb8;
	[tilespmem:$0x1A800] =	vst v63  }
0x192: {  	_ =	swait.ge [sflag:s18], $0x4000  }
0x193: {  	s28 =	simm.s32 $0x0;
	[sflag:s18] =	ssyncset.done $0x0  }
0x194: {  	s10 =	sand.u32 $0x200, s28;
	[sflag:s18] =	ssyncadd.s32 $0xFFFFC000  }
0x195: {  	s0 =	sshrl.u32 s10, $0x2;
	_ =	swait.ge [sflag:s18], $0x4000  }
0x196: {  	s12 =	sand.u32 $0x70, s28;
	s0 =	sadd.s32 s0, s26;
	[sflag:s18] =	ssyncset.done $0x0  }
0x197: {  	s0 =	sadd.s32 s12, s0;
	[sflag:s18] =	ssyncadd.s32 $0xFFFFC000  }
0x198: {  	v47 =	vld [tilespmem:s0+$0x0];
	_ =	sdelay $0x3  }
0x199: {  	v48 =	vmov s28  }
0x19a: {  	v35 =	vshll.u32 v48, $0x7;
	v34 =	vshra.s32 v47, $0xD  }
0x19b: {  	v49 =	vor.u32 v1, v35;
	v34 =	vand.u32 $0xFFFFFFE0, v34  }
0x19c: {  	v36 =	vadd.s32 v49, v34;
	_ =	sdelay $0x3  }
0x19d: {  	v34 =	vor.u32 v2, v35  }
0x19e: {  	v51 =	vor.u32 v0, v34;
	v50 =	vld.idx.msk [tilespmem:v36+s14+$0x0], $0xffff  }
0x19f: {  	v52 =	vor.u32 $0x1, v36;
	_ =	sdelay $0x3  }
0x1a0: {  	[tilespmem:v51+s19+$0x0] =	vst.idx.msk $0xffff, v50  }
0x1a1: {  	v53 =	vor.u32 v3, v34;
	v35 =	vld.idx.msk [tilespmem:v52+s14+$0x0], $0xffff  }
0x1a2: {  	v54 =	vor.u32 $0x2, v36;
	_ =	sdelay $0x3  }
0x1a3: {  	[tilespmem:v53+s19+$0x0] =	vst.idx.msk $0xffff, v35  }
0x1a4: {  	v55 =	vor.u32 v4, v34;
	v35 =	vld.idx.msk [tilespmem:v54+s14+$0x0], $0xffff  }
0x1a5: {  	v56 =	vor.u32 $0x3, v36;
	_ =	sdelay $0x3  }
0x1a6: {  	[tilespmem:v55+s19+$0x0] =	vst.idx.msk $0xffff, v35  }
0x1a7: {  	v57 =	vor.u32 v5, v34;
	v35 =	vld.idx.msk [tilespmem:v56+s14+$0x0], $0xffff  }
0x1a8: {  	v58 =	vor.u32 $0x4, v36;
	_ =	sdelay $0x3  }
0x1a9: {  	[tilespmem:v57+s19+$0x0] =	vst.idx.msk $0xffff, v35  }
0x1aa: {  	v59 =	vor.u32 v6, v34;
	v35 =	vld.idx.msk [tilespmem:v58+s14+$0x0], $0xffff  }
0x1ab: {  	v60 =	vor.u32 $0x5, v36;
	_ =	sdelay $0x3  }
0x1ac: {  	[tilespmem:v59+s19+$0x0] =	vst.idx.msk $0xffff, v35  }
0x1ad: {  	v61 =	vor.u32 v7, v34;
	v35 =	vld.idx.msk [tilespmem:v60+s14+$0x0], $0xffff  }
0x1ae: {  	v62 =	vor.u32 $0x6, v36;
	_ =	sdelay $0x3  }
0x1af: {  	[tilespmem:v61+s19+$0x0] =	vst.idx.msk $0xffff, v35  }
0x1b0: {  	v63 =	vor.u32 v8, v34;
	v35 =	vld.idx.msk [tilespmem:v62+s14+$0x0], $0xffff  }
0x1b1: {  	v40 =	vor.u32 $0x7, v36;
	_ =	sdelay $0x3  }
0x1b2: {  	[tilespmem:v63+s19+$0x0] =	vst.idx.msk $0xffff, v35  }
0x1b3: {  	v41 =	vor.u32 v9, v34;
	v35 =	vld.idx.msk [tilespmem:v40+s14+$0x0], $0xffff  }
0x1b4: {  	v42 =	vor.u32 $0x8, v36;
	_ =	sdelay $0x3  }
0x1b5: {  	[tilespmem:v41+s19+$0x0] =	vst.idx.msk $0xffff, v35  }
0x1b6: {  	v43 =	vor.u32 v10, v34;
	v35 =	vld.idx.msk [tilespmem:v42+s14+$0x0], $0xffff  }
0x1b7: {  	v44 =	vor.u32 $0x9, v36;
	_ =	sdelay $0x3  }
0x1b8: {  	[tilespmem:v43+s19+$0x0] =	vst.idx.msk $0xffff, v35  }
0x1b9: {  	v45 =	vor.u32 v11, v34;
	v35 =	vld.idx.msk [tilespmem:v44+s14+$0x0], $0xffff  }
0x1ba: {  	v46 =	vor.u32 $0xA, v36;
	_ =	sdelay $0x3  }
0x1bb: {  	[tilespmem:v45+s19+$0x0] =	vst.idx.msk $0xffff, v35  }
0x1bc: {  	v47 =	vor.u32 v12, v34;
	v35 =	vld.idx.msk [tilespmem:v46+s14+$0x0], $0xffff  }
0x1bd: {  	v48 =	vor.u32 $0xB, v36;
	_ =	sdelay $0x3  }
0x1be: {  	[tilespmem:v47+s19+$0x0] =	vst.idx.msk $0xffff, v35  }
0x1bf: {  	v49 =	vor.u32 v13, v34;
	v35 =	vld.idx.msk [tilespmem:v48+s14+$0x0], $0xffff  }
0x1c0: {  	v50 =	vor.u32 $0xC, v36;
	_ =	sdelay $0x3  }
0x1c1: {  	[tilespmem:v49+s19+$0x0] =	vst.idx.msk $0xffff, v35  }
0x1c2: {  	v51 =	vor.u32 v14, v34;
	v35 =	vld.idx.msk [tilespmem:v50+s14+$0x0], $0xffff  }
0x1c3: {  	v52 =	vor.u32 $0xD, v36;
	_ =	sdelay $0x3  }
0x1c4: {  	[tilespmem:v51+s19+$0x0] =	vst.idx.msk $0xffff, v35  }
0x1c5: {  	v53 =	vor.u32 v15, v34;
	v35 =	vld.idx.msk [tilespmem:v52+s14+$0x0], $0xffff  }
0x1c6: {  	v54 =	vor.u32 $0xE, v36;
	_ =	sdelay $0x3  }
0x1c7: {  	[tilespmem:v53+s19+$0x0] =	vst.idx.msk $0xffff, v35  }
0x1c8: {  	v55 =	vor.u32 v16, v34;
	v35 =	vld.idx.msk [tilespmem:v54+s14+$0x0], $0xffff  }
0x1c9: {  	v56 =	vor.u32 $0xF, v36;
	_ =	sdelay $0x3  }
0x1ca: {  	[tilespmem:v55+s19+$0x0] =	vst.idx.msk $0xffff, v35  }
0x1cb: {  	v57 =	vor.u32 v17, v34;
	v35 =	vld.idx.msk [tilespmem:v56+s14+$0x0], $0xffff  }
0x1cc: {  	v58 =	vor.u32 $0x10, v36;
	_ =	sdelay $0x3  }
0x1cd: {  	[tilespmem:v57+s19+$0x0] =	vst.idx.msk $0xffff, v35  }
0x1ce: {  	v59 =	vor.u32 v18, v34;
	v35 =	vld.idx.msk [tilespmem:v58+s14+$0x0], $0xffff  }
0x1cf: {  	v60 =	vor.u32 $0x11, v36;
	_ =	sdelay $0x3  }
0x1d0: {  	[tilespmem:v59+s19+$0x0] =	vst.idx.msk $0xffff, v35  }
0x1d1: {  	v61 =	vor.u32 v19, v34;
	v35 =	vld.idx.msk [tilespmem:v60+s14+$0x0], $0xffff  }
0x1d2: {  	v62 =	vor.u32 $0x12, v36;
	_ =	sdelay $0x3  }
0x1d3: {  	[tilespmem:v61+s19+$0x0] =	vst.idx.msk $0xffff, v35  }
0x1d4: {  	v63 =	vor.u32 v20, v34;
	v35 =	vld.idx.msk [tilespmem:v62+s14+$0x0], $0xffff  }
0x1d5: {  	v40 =	vor.u32 $0x13, v36;
	_ =	sdelay $0x3  }
0x1d6: {  	[tilespmem:v63+s19+$0x0] =	vst.idx.msk $0xffff, v35  }
0x1d7: {  	v41 =	vor.u32 v21, v34;
	v35 =	vld.idx.msk [tilespmem:v40+s14+$0x0], $0xffff  }
0x1d8: {  	v42 =	vor.u32 $0x14, v36;
	_ =	sdelay $0x3  }
0x1d9: {  	[tilespmem:v41+s19+$0x0] =	vst.idx.msk $0xffff, v35  }
0x1da: {  	v43 =	vor.u32 v22, v34;
	v35 =	vld.idx.msk [tilespmem:v42+s14+$0x0], $0xffff  }
0x1db: {  	v44 =	vor.u32 $0x15, v36;
	_ =	sdelay $0x3  }
0x1dc: {  	[tilespmem:v43+s19+$0x0] =	vst.idx.msk $0xffff, v35  }
0x1dd: {  	v45 =	vor.u32 v23, v34;
	v35 =	vld.idx.msk [tilespmem:v44+s14+$0x0], $0xffff  }
0x1de: {  	v46 =	vor.u32 $0x16, v36;
	_ =	sdelay $0x3  }
0x1df: {  	[tilespmem:v45+s19+$0x0] =	vst.idx.msk $0xffff, v35  }
0x1e0: {  	v47 =	vor.u32 v24, v34;
	v35 =	vld.idx.msk [tilespmem:v46+s14+$0x0], $0xffff  }
0x1e1: {  	v48 =	vor.u32 $0x17, v36;
	_ =	sdelay $0x3  }
0x1e2: {  	[tilespmem:v47+s19+$0x0] =	vst.idx.msk $0xffff, v35  }
0x1e3: {  	v49 =	vor.u32 v25, v34;
	v35 =	vld.idx.msk [tilespmem:v48+s14+$0x0], $0xffff  }
0x1e4: {  	v50 =	vor.u32 $0x18, v36;
	_ =	sdelay $0x3  }
0x1e5: {  	[tilespmem:v49+s19+$0x0] =	vst.idx.msk $0xffff, v35  }
0x1e6: {  	v51 =	vor.u32 v26, v34;
	v35 =	vld.idx.msk [tilespmem:v50+s14+$0x0], $0xffff  }
0x1e7: {  	v52 =	vor.u32 $0x19, v36;
	_ =	sdelay $0x3  }
0x1e8: {  	[tilespmem:v51+s19+$0x0] =	vst.idx.msk $0xffff, v35  }
0x1e9: {  	v53 =	vor.u32 v27, v34;
	v35 =	vld.idx.msk [tilespmem:v52+s14+$0x0], $0xffff  }
0x1ea: {  	v54 =	vor.u32 $0x1A, v36;
	_ =	sdelay $0x3  }
0x1eb: {  	[tilespmem:v53+s19+$0x0] =	vst.idx.msk $0xffff, v35  }
0x1ec: {  	v55 =	vor.u32 v28, v34;
	v35 =	vld.idx.msk [tilespmem:v54+s14+$0x0], $0xffff  }
0x1ed: {  	v56 =	vor.u32 $0x1B, v36;
	_ =	sdelay $0x3  }
0x1ee: {  	[tilespmem:v55+s19+$0x0] =	vst.idx.msk $0xffff, v35  }
0x1ef: {  	v57 =	vor.u32 v29, v34;
	v35 =	vld.idx.msk [tilespmem:v56+s14+$0x0], $0xffff  }
0x1f0: {  	v58 =	vor.u32 $0x1C, v36;
	_ =	sdelay $0x3  }
0x1f1: {  	[tilespmem:v57+s19+$0x0] =	vst.idx.msk $0xffff, v35  }
0x1f2: {  	v59 =	vor.u32 v30, v34;
	v35 =	vld.idx.msk [tilespmem:v58+s14+$0x0], $0xffff  }
0x1f3: {  	v60 =	vor.u32 $0x1D, v36;
	_ =	sdelay $0x3  }
0x1f4: {  	[tilespmem:v59+s19+$0x0] =	vst.idx.msk $0xffff, v35  }
0x1f5: {  	v61 =	vor.u32 v31, v34;
	v35 =	vld.idx.msk [tilespmem:v60+s14+$0x0], $0xffff  }
0x1f6: {  	v62 =	vor.u32 $0x1E, v36;
	_ =	sdelay $0x3  }
0x1f7: {  	[tilespmem:v61+s19+$0x0] =	vst.idx.msk $0xffff, v35  }
0x1f8: {  	v63 =	vor.u32 v32, v34;
	v35 =	vld.idx.msk [tilespmem:v62+s14+$0x0], $0xffff  }
0x1f9: {  	v36 =	vor.u32 $0x1F, v36;
	_ =	sdelay $0x3  }
0x1fa: {  	[tilespmem:v63+s19+$0x0] =	vst.idx.msk $0xffff, v35  }
0x1fb: {  	s30 =	simm.s32 $0x40;
	v34 =	vor.u32 v33, v34;
	v36 =	vld.idx.msk [tilespmem:v36+s14+$0x0], $0xffff  }
0x1fc: {  	s0 =	sand.u32 $0x200, s30  }
0x1fd: {  	s29 =	simm.s32 $0x10;
	s31 =	sshrl.u32 s0, $0x2  }
0x1fe: {  	s10 =	simm.s32 $0x80;
	s0 =	sand.u32 $0x70, s29;
	s12 =	sadd.s32 s31, s26  }
.LBB2_7:
0x1ff: {  	s12 =	sadd.s32 s0, s12  }
0x200: {  	[tilespmem:v34+s19+$0x0] =	vst.idx.msk $0xffff, v36;
	s28 =	sadd.s32 $0x4, s28;
	s0 =	smov.u32 s10;
	s1 =	sadd.s32 $0x40, s10  }
0x201: {  	p1 =	sne.s32 s10, $0x3C0;
	v34 =	vld [tilespmem:s12+$0x0];
	_ =	sdelay $0x3  }
0x202: {  	v35 =	vmov s29  }
0x203: {  	v35 =	vshll.u32 v35, $0x7;
	v34 =	vshra.s32 v34, $0xD  }
0x204: {  	v35 =	vor.u32 v1, v35;
	v34 =	vand.u32 $0xFFFFFFE0, v34  }
0x205: {  	v34 =	vadd.s32 v35, v34;
	_ =	sdelay $0x2  }
0x206: {  	v35 =	vmov s28  }
0x207: {  	v35 =	vshll.u32 v35, $0x7  }
0x208: {  	v35 =	vor.u32 v2, v35;
	v36 =	vld.idx.msk [tilespmem:v34+s14+$0x0], $0xffff  }
0x209: {  	v37 =	vor.u32 v0, v35  }
0x20a: {  	v38 =	vor.u32 $0x1, v34;
	_ =	sdelay $0x3  }
0x20b: {  	[tilespmem:v37+s19+$0x0] =	vst.idx.msk $0xffff, v36  }
0x20c: {  	v36 =	vld.idx.msk [tilespmem:v38+s14+$0x0], $0xffff  }
0x20d: {  	v37 =	vor.u32 v3, v35  }
0x20e: {  	v38 =	vor.u32 $0x2, v34;
	_ =	sdelay $0x3  }
0x20f: {  	[tilespmem:v37+s19+$0x0] =	vst.idx.msk $0xffff, v36  }
0x210: {  	v36 =	vld.idx.msk [tilespmem:v38+s14+$0x0], $0xffff  }
0x211: {  	v37 =	vor.u32 v4, v35  }
0x212: {  	v38 =	vor.u32 $0x3, v34;
	_ =	sdelay $0x3  }
0x213: {  	[tilespmem:v37+s19+$0x0] =	vst.idx.msk $0xffff, v36  }
0x214: {  	v36 =	vld.idx.msk [tilespmem:v38+s14+$0x0], $0xffff  }
0x215: {  	v37 =	vor.u32 v5, v35  }
0x216: {  	v38 =	vor.u32 $0x4, v34;
	_ =	sdelay $0x3  }
0x217: {  	[tilespmem:v37+s19+$0x0] =	vst.idx.msk $0xffff, v36  }
0x218: {  	v36 =	vld.idx.msk [tilespmem:v38+s14+$0x0], $0xffff  }
0x219: {  	v37 =	vor.u32 v6, v35  }
0x21a: {  	v38 =	vor.u32 $0x5, v34;
	_ =	sdelay $0x3  }
0x21b: {  	[tilespmem:v37+s19+$0x0] =	vst.idx.msk $0xffff, v36  }
0x21c: {  	v36 =	vld.idx.msk [tilespmem:v38+s14+$0x0], $0xffff  }
0x21d: {  	v37 =	vor.u32 v7, v35  }
0x21e: {  	v38 =	vor.u32 $0x6, v34;
	_ =	sdelay $0x3  }
0x21f: {  	[tilespmem:v37+s19+$0x0] =	vst.idx.msk $0xffff, v36  }
0x220: {  	v36 =	vld.idx.msk [tilespmem:v38+s14+$0x0], $0xffff  }
0x221: {  	v37 =	vor.u32 v8, v35  }
0x222: {  	v38 =	vor.u32 $0x7, v34;
	_ =	sdelay $0x3  }
0x223: {  	[tilespmem:v37+s19+$0x0] =	vst.idx.msk $0xffff, v36  }
0x224: {  	v36 =	vld.idx.msk [tilespmem:v38+s14+$0x0], $0xffff  }
0x225: {  	v37 =	vor.u32 v9, v35  }
0x226: {  	v38 =	vor.u32 $0x8, v34;
	_ =	sdelay $0x3  }
0x227: {  	[tilespmem:v37+s19+$0x0] =	vst.idx.msk $0xffff, v36  }
0x228: {  	v36 =	vld.idx.msk [tilespmem:v38+s14+$0x0], $0xffff  }
0x229: {  	v37 =	vor.u32 v10, v35  }
0x22a: {  	v38 =	vor.u32 $0x9, v34;
	_ =	sdelay $0x3  }
0x22b: {  	[tilespmem:v37+s19+$0x0] =	vst.idx.msk $0xffff, v36  }
0x22c: {  	v36 =	vld.idx.msk [tilespmem:v38+s14+$0x0], $0xffff  }
0x22d: {  	v37 =	vor.u32 v11, v35  }
0x22e: {  	v38 =	vor.u32 $0xA, v34;
	_ =	sdelay $0x3  }
0x22f: {  	[tilespmem:v37+s19+$0x0] =	vst.idx.msk $0xffff, v36  }
0x230: {  	v36 =	vld.idx.msk [tilespmem:v38+s14+$0x0], $0xffff  }
0x231: {  	v37 =	vor.u32 v12, v35  }
0x232: {  	v38 =	vor.u32 $0xB, v34;
	_ =	sdelay $0x3  }
0x233: {  	[tilespmem:v37+s19+$0x0] =	vst.idx.msk $0xffff, v36  }
0x234: {  	v36 =	vld.idx.msk [tilespmem:v38+s14+$0x0], $0xffff  }
0x235: {  	v37 =	vor.u32 v13, v35  }
0x236: {  	v38 =	vor.u32 $0xC, v34;
	_ =	sdelay $0x3  }
0x237: {  	[tilespmem:v37+s19+$0x0] =	vst.idx.msk $0xffff, v36  }
0x238: {  	v36 =	vld.idx.msk [tilespmem:v38+s14+$0x0], $0xffff  }
0x239: {  	v37 =	vor.u32 v14, v35  }
0x23a: {  	v38 =	vor.u32 $0xD, v34;
	_ =	sdelay $0x3  }
0x23b: {  	[tilespmem:v37+s19+$0x0] =	vst.idx.msk $0xffff, v36  }
0x23c: {  	v36 =	vld.idx.msk [tilespmem:v38+s14+$0x0], $0xffff  }
0x23d: {  	v37 =	vor.u32 v15, v35  }
0x23e: {  	v38 =	vor.u32 $0xE, v34;
	_ =	sdelay $0x3  }
0x23f: {  	[tilespmem:v37+s19+$0x0] =	vst.idx.msk $0xffff, v36  }
0x240: {  	v36 =	vld.idx.msk [tilespmem:v38+s14+$0x0], $0xffff  }
0x241: {  	v37 =	vor.u32 v16, v35  }
0x242: {  	v38 =	vor.u32 $0xF, v34;
	_ =	sdelay $0x3  }
0x243: {  	[tilespmem:v37+s19+$0x0] =	vst.idx.msk $0xffff, v36  }
0x244: {  	v36 =	vld.idx.msk [tilespmem:v38+s14+$0x0], $0xffff  }
0x245: {  	v37 =	vor.u32 v17, v35  }
0x246: {  	v38 =	vor.u32 $0x10, v34;
	_ =	sdelay $0x3  }
0x247: {  	[tilespmem:v37+s19+$0x0] =	vst.idx.msk $0xffff, v36  }
0x248: {  	v36 =	vld.idx.msk [tilespmem:v38+s14+$0x0], $0xffff  }
0x249: {  	v37 =	vor.u32 v18, v35  }
0x24a: {  	v38 =	vor.u32 $0x11, v34;
	_ =	sdelay $0x3  }
0x24b: {  	[tilespmem:v37+s19+$0x0] =	vst.idx.msk $0xffff, v36  }
0x24c: {  	v36 =	vld.idx.msk [tilespmem:v38+s14+$0x0], $0xffff  }
0x24d: {  	v37 =	vor.u32 v19, v35  }
0x24e: {  	v38 =	vor.u32 $0x12, v34;
	_ =	sdelay $0x3  }
0x24f: {  	[tilespmem:v37+s19+$0x0] =	vst.idx.msk $0xffff, v36  }
0x250: {  	v36 =	vld.idx.msk [tilespmem:v38+s14+$0x0], $0xffff  }
0x251: {  	v37 =	vor.u32 v20, v35  }
0x252: {  	v38 =	vor.u32 $0x13, v34;
	_ =	sdelay $0x3  }
0x253: {  	[tilespmem:v37+s19+$0x0] =	vst.idx.msk $0xffff, v36  }
0x254: {  	v36 =	vld.idx.msk [tilespmem:v38+s14+$0x0], $0xffff  }
0x255: {  	v37 =	vor.u32 v21, v35  }
0x256: {  	v38 =	vor.u32 $0x14, v34;
	_ =	sdelay $0x3  }
0x257: {  	[tilespmem:v37+s19+$0x0] =	vst.idx.msk $0xffff, v36  }
0x258: {  	v36 =	vld.idx.msk [tilespmem:v38+s14+$0x0], $0xffff  }
0x259: {  	v37 =	vor.u32 v22, v35  }
0x25a: {  	v38 =	vor.u32 $0x15, v34;
	_ =	sdelay $0x3  }
0x25b: {  	[tilespmem:v37+s19+$0x0] =	vst.idx.msk $0xffff, v36  }
0x25c: {  	v36 =	vld.idx.msk [tilespmem:v38+s14+$0x0], $0xffff  }
0x25d: {  	v37 =	vor.u32 v23, v35  }
0x25e: {  	v38 =	vor.u32 $0x16, v34;
	_ =	sdelay $0x3  }
0x25f: {  	[tilespmem:v37+s19+$0x0] =	vst.idx.msk $0xffff, v36  }
0x260: {  	v36 =	vld.idx.msk [tilespmem:v38+s14+$0x0], $0xffff  }
0x261: {  	v37 =	vor.u32 v24, v35  }
0x262: {  	v38 =	vor.u32 $0x17, v34;
	_ =	sdelay $0x3  }
0x263: {  	[tilespmem:v37+s19+$0x0] =	vst.idx.msk $0xffff, v36  }
0x264: {  	v36 =	vld.idx.msk [tilespmem:v38+s14+$0x0], $0xffff  }
0x265: {  	v37 =	vor.u32 v25, v35  }
0x266: {  	v38 =	vor.u32 $0x18, v34;
	_ =	sdelay $0x3  }
0x267: {  	[tilespmem:v37+s19+$0x0] =	vst.idx.msk $0xffff, v36  }
0x268: {  	v36 =	vld.idx.msk [tilespmem:v38+s14+$0x0], $0xffff  }
0x269: {  	v37 =	vor.u32 v26, v35  }
0x26a: {  	v38 =	vor.u32 $0x19, v34;
	_ =	sdelay $0x3  }
0x26b: {  	[tilespmem:v37+s19+$0x0] =	vst.idx.msk $0xffff, v36  }
0x26c: {  	v36 =	vld.idx.msk [tilespmem:v38+s14+$0x0], $0xffff  }
0x26d: {  	v37 =	vor.u32 v27, v35  }
0x26e: {  	v38 =	vor.u32 $0x1A, v34;
	_ =	sdelay $0x3  }
0x26f: {  	[tilespmem:v37+s19+$0x0] =	vst.idx.msk $0xffff, v36  }
0x270: {  	v36 =	vld.idx.msk [tilespmem:v38+s14+$0x0], $0xffff  }
0x271: {  	v37 =	vor.u32 v28, v35  }
0x272: {  	v38 =	vor.u32 $0x1B, v34;
	_ =	sdelay $0x3  }
0x273: {  	[tilespmem:v37+s19+$0x0] =	vst.idx.msk $0xffff, v36  }
0x274: {  	v36 =	vld.idx.msk [tilespmem:v38+s14+$0x0], $0xffff  }
0x275: {  	v37 =	vor.u32 v29, v35  }
0x276: {  	v38 =	vor.u32 $0x1C, v34;
	_ =	sdelay $0x3  }
0x277: {  	[tilespmem:v37+s19+$0x0] =	vst.idx.msk $0xffff, v36  }
0x278: {  	v36 =	vld.idx.msk [tilespmem:v38+s14+$0x0], $0xffff  }
0x279: {  	v37 =	vor.u32 v30, v35  }
0x27a: {  	v38 =	vor.u32 $0x1D, v34;
	_ =	sdelay $0x3  }
0x27b: {  	[tilespmem:v37+s19+$0x0] =	vst.idx.msk $0xffff, v36  }
0x27c: {  	v36 =	vld.idx.msk [tilespmem:v38+s14+$0x0], $0xffff  }
0x27d: {  	v37 =	vor.u32 v31, v35  }
0x27e: {  	v38 =	vor.u32 $0x1E, v34;
	_ =	sdelay $0x3  }
0x27f: {  	[tilespmem:v37+s19+$0x0] =	vst.idx.msk $0xffff, v36  }
0x280: {  	v36 =	vld.idx.msk [tilespmem:v38+s14+$0x0], $0xffff  }
0x281: {  	v37 =	vor.u32 v32, v35  }
0x282: {  	v34 =	vor.u32 $0x1F, v34;
	_ =	sdelay $0x3  }
0x283: {  	[tilespmem:v37+s19+$0x0] =	vst.idx.msk $0xffff, v36  }
0x284: {  	v36 =	vld.idx.msk [tilespmem:v34+s14+$0x0], $0xffff  }
.Ltmp2:
0x285: {  	v34 =	vor.u32 v33, v35;
	(pc) =	sbr.rel @p1 .LBB2_7-.Ltmp2, $4  }
0x286: {  	_ = 	snop  }
0x287: {  	s0 =	sand.u32 $0x200, s0  }
0x288: {  	s29 =	sadd.s32 $0x10, s29;
	s10 =	sshrl.u32 s0, $0x2  }
0x289: {  	s0 =	sand.u32 $0x70, s29;
	s12 =	sadd.s32 s10, s26;
	s10 =	smov.u32 s1  }
0x28a: {  	_ =	sdelay $0x3  }
0x28b: {  	s0 =	sadd.s32 s0, s12;
	[tilespmem:v34+s19+$0x0] =	vst.idx.msk $0xffff, v36  }
0x28c: {  	v34 =	vld [tilespmem:s0+$0x0];
	_ =	sdelay $0x3  }
0x28d: {  	v35 =	vmov s29  }
0x28e: {  	v35 =	vshll.u32 v35, $0x7;
	v34 =	vshra.s32 v34, $0xD  }
0x28f: {  	v35 =	vor.u32 v1, v35;
	v34 =	vand.u32 $0xFFFFFFE0, v34  }
0x290: {  	v34 =	vadd.s32 v35, v34  }
0x291: {  	s30 =	sadd.s32 $0x4, s28  }
0x292: {  	v52 =	vmov s30  }
0x293: {  	v35 =	vshll.u32 v52, $0x7  }
0x294: {  	v35 =	vor.u32 v2, v35  }
0x295: {  	v37 =	vor.u32 v0, v35;
	v36 =	vld.idx.msk [tilespmem:v34+s14+$0x0], $0xffff  }
0x296: {  	v38 =	vor.u32 $0x1, v34;
	_ =	sdelay $0x3  }
0x297: {  	[tilespmem:v37+s19+$0x0] =	vst.idx.msk $0xffff, v36  }
0x298: {  	v53 =	vor.u32 v3, v35;
	v36 =	vld.idx.msk [tilespmem:v38+s14+$0x0], $0xffff  }
0x299: {  	v54 =	vor.u32 $0x2, v34;
	_ =	sdelay $0x3  }
0x29a: {  	[tilespmem:v53+s19+$0x0] =	vst.idx.msk $0xffff, v36  }
0x29b: {  	v55 =	vor.u32 v4, v35;
	v36 =	vld.idx.msk [tilespmem:v54+s14+$0x0], $0xffff  }
0x29c: {  	v56 =	vor.u32 $0x3, v34;
	_ =	sdelay $0x3  }
0x29d: {  	[tilespmem:v55+s19+$0x0] =	vst.idx.msk $0xffff, v36  }
0x29e: {  	v57 =	vor.u32 v5, v35;
	v36 =	vld.idx.msk [tilespmem:v56+s14+$0x0], $0xffff  }
0x29f: {  	v58 =	vor.u32 $0x4, v34;
	_ =	sdelay $0x3  }
0x2a0: {  	[tilespmem:v57+s19+$0x0] =	vst.idx.msk $0xffff, v36  }
0x2a1: {  	v59 =	vor.u32 v6, v35;
	v36 =	vld.idx.msk [tilespmem:v58+s14+$0x0], $0xffff  }
0x2a2: {  	v60 =	vor.u32 $0x5, v34;
	_ =	sdelay $0x3  }
0x2a3: {  	[tilespmem:v59+s19+$0x0] =	vst.idx.msk $0xffff, v36  }
0x2a4: {  	v61 =	vor.u32 v7, v35;
	v36 =	vld.idx.msk [tilespmem:v60+s14+$0x0], $0xffff  }
0x2a5: {  	v62 =	vor.u32 $0x6, v34;
	_ =	sdelay $0x3  }
0x2a6: {  	[tilespmem:v61+s19+$0x0] =	vst.idx.msk $0xffff, v36  }
0x2a7: {  	v63 =	vor.u32 v8, v35;
	v36 =	vld.idx.msk [tilespmem:v62+s14+$0x0], $0xffff  }
0x2a8: {  	v40 =	vor.u32 $0x7, v34;
	_ =	sdelay $0x3  }
0x2a9: {  	[tilespmem:v63+s19+$0x0] =	vst.idx.msk $0xffff, v36  }
0x2aa: {  	v41 =	vor.u32 v9, v35;
	v36 =	vld.idx.msk [tilespmem:v40+s14+$0x0], $0xffff  }
0x2ab: {  	v42 =	vor.u32 $0x8, v34;
	_ =	sdelay $0x3  }
0x2ac: {  	[tilespmem:v41+s19+$0x0] =	vst.idx.msk $0xffff, v36  }
0x2ad: {  	v43 =	vor.u32 v10, v35;
	v36 =	vld.idx.msk [tilespmem:v42+s14+$0x0], $0xffff  }
0x2ae: {  	v44 =	vor.u32 $0x9, v34;
	_ =	sdelay $0x3  }
0x2af: {  	[tilespmem:v43+s19+$0x0] =	vst.idx.msk $0xffff, v36  }
0x2b0: {  	v45 =	vor.u32 v11, v35;
	v36 =	vld.idx.msk [tilespmem:v44+s14+$0x0], $0xffff  }
0x2b1: {  	v46 =	vor.u32 $0xA, v34;
	_ =	sdelay $0x3  }
0x2b2: {  	[tilespmem:v45+s19+$0x0] =	vst.idx.msk $0xffff, v36  }
0x2b3: {  	v47 =	vor.u32 v12, v35;
	v36 =	vld.idx.msk [tilespmem:v46+s14+$0x0], $0xffff  }
0x2b4: {  	v48 =	vor.u32 $0xB, v34;
	_ =	sdelay $0x3  }
0x2b5: {  	[tilespmem:v47+s19+$0x0] =	vst.idx.msk $0xffff, v36  }
0x2b6: {  	v49 =	vor.u32 v13, v35;
	v36 =	vld.idx.msk [tilespmem:v48+s14+$0x0], $0xffff  }
0x2b7: {  	v50 =	vor.u32 $0xC, v34;
	_ =	sdelay $0x3  }
0x2b8: {  	[tilespmem:v49+s19+$0x0] =	vst.idx.msk $0xffff, v36  }
0x2b9: {  	v51 =	vor.u32 v14, v35;
	v36 =	vld.idx.msk [tilespmem:v50+s14+$0x0], $0xffff  }
0x2ba: {  	v52 =	vor.u32 $0xD, v34;
	_ =	sdelay $0x3  }
0x2bb: {  	[tilespmem:v51+s19+$0x0] =	vst.idx.msk $0xffff, v36  }
0x2bc: {  	v53 =	vor.u32 v15, v35;
	v36 =	vld.idx.msk [tilespmem:v52+s14+$0x0], $0xffff  }
0x2bd: {  	v54 =	vor.u32 $0xE, v34;
	_ =	sdelay $0x3  }
0x2be: {  	[tilespmem:v53+s19+$0x0] =	vst.idx.msk $0xffff, v36  }
0x2bf: {  	v55 =	vor.u32 v16, v35;
	v36 =	vld.idx.msk [tilespmem:v54+s14+$0x0], $0xffff  }
0x2c0: {  	v56 =	vor.u32 $0xF, v34;
	_ =	sdelay $0x3  }
0x2c1: {  	[tilespmem:v55+s19+$0x0] =	vst.idx.msk $0xffff, v36  }
0x2c2: {  	v57 =	vor.u32 v17, v35;
	v36 =	vld.idx.msk [tilespmem:v56+s14+$0x0], $0xffff  }
0x2c3: {  	v58 =	vor.u32 $0x10, v34;
	_ =	sdelay $0x3  }
0x2c4: {  	[tilespmem:v57+s19+$0x0] =	vst.idx.msk $0xffff, v36  }
0x2c5: {  	v59 =	vor.u32 v18, v35;
	v36 =	vld.idx.msk [tilespmem:v58+s14+$0x0], $0xffff  }
0x2c6: {  	v60 =	vor.u32 $0x11, v34;
	_ =	sdelay $0x3  }
0x2c7: {  	[tilespmem:v59+s19+$0x0] =	vst.idx.msk $0xffff, v36  }
0x2c8: {  	v61 =	vor.u32 v19, v35;
	v36 =	vld.idx.msk [tilespmem:v60+s14+$0x0], $0xffff  }
0x2c9: {  	v62 =	vor.u32 $0x12, v34;
	_ =	sdelay $0x3  }
0x2ca: {  	[tilespmem:v61+s19+$0x0] =	vst.idx.msk $0xffff, v36  }
0x2cb: {  	v63 =	vor.u32 v20, v35;
	v36 =	vld.idx.msk [tilespmem:v62+s14+$0x0], $0xffff  }
0x2cc: {  	v40 =	vor.u32 $0x13, v34;
	_ =	sdelay $0x3  }
0x2cd: {  	[tilespmem:v63+s19+$0x0] =	vst.idx.msk $0xffff, v36  }
0x2ce: {  	v41 =	vor.u32 v21, v35;
	v36 =	vld.idx.msk [tilespmem:v40+s14+$0x0], $0xffff  }
0x2cf: {  	v42 =	vor.u32 $0x14, v34;
	_ =	sdelay $0x3  }
0x2d0: {  	[tilespmem:v41+s19+$0x0] =	vst.idx.msk $0xffff, v36  }
0x2d1: {  	v43 =	vor.u32 v22, v35;
	v36 =	vld.idx.msk [tilespmem:v42+s14+$0x0], $0xffff  }
0x2d2: {  	v44 =	vor.u32 $0x15, v34;
	_ =	sdelay $0x3  }
0x2d3: {  	[tilespmem:v43+s19+$0x0] =	vst.idx.msk $0xffff, v36  }
0x2d4: {  	v45 =	vor.u32 v23, v35;
	v36 =	vld.idx.msk [tilespmem:v44+s14+$0x0], $0xffff  }
0x2d5: {  	v46 =	vor.u32 $0x16, v34;
	_ =	sdelay $0x3  }
0x2d6: {  	[tilespmem:v45+s19+$0x0] =	vst.idx.msk $0xffff, v36  }
0x2d7: {  	v47 =	vor.u32 v24, v35;
	v36 =	vld.idx.msk [tilespmem:v46+s14+$0x0], $0xffff  }
0x2d8: {  	v48 =	vor.u32 $0x17, v34;
	_ =	sdelay $0x3  }
0x2d9: {  	[tilespmem:v47+s19+$0x0] =	vst.idx.msk $0xffff, v36  }
0x2da: {  	v49 =	vor.u32 v25, v35;
	v36 =	vld.idx.msk [tilespmem:v48+s14+$0x0], $0xffff  }
0x2db: {  	v50 =	vor.u32 $0x18, v34;
	_ =	sdelay $0x3  }
0x2dc: {  	[tilespmem:v49+s19+$0x0] =	vst.idx.msk $0xffff, v36  }
0x2dd: {  	v51 =	vor.u32 v26, v35;
	v36 =	vld.idx.msk [tilespmem:v50+s14+$0x0], $0xffff  }
0x2de: {  	v52 =	vor.u32 $0x19, v34;
	_ =	sdelay $0x3  }
0x2df: {  	[tilespmem:v51+s19+$0x0] =	vst.idx.msk $0xffff, v36  }
0x2e0: {  	v53 =	vor.u32 v27, v35;
	v36 =	vld.idx.msk [tilespmem:v52+s14+$0x0], $0xffff  }
0x2e1: {  	v54 =	vor.u32 $0x1A, v34;
	_ =	sdelay $0x3  }
0x2e2: {  	[tilespmem:v53+s19+$0x0] =	vst.idx.msk $0xffff, v36  }
0x2e3: {  	v55 =	vor.u32 v28, v35;
	v36 =	vld.idx.msk [tilespmem:v54+s14+$0x0], $0xffff  }
0x2e4: {  	v56 =	vor.u32 $0x1B, v34;
	_ =	sdelay $0x3  }
0x2e5: {  	[tilespmem:v55+s19+$0x0] =	vst.idx.msk $0xffff, v36  }
0x2e6: {  	v57 =	vor.u32 v29, v35;
	v36 =	vld.idx.msk [tilespmem:v56+s14+$0x0], $0xffff  }
0x2e7: {  	v58 =	vor.u32 $0x1C, v34;
	_ =	sdelay $0x3  }
0x2e8: {  	[tilespmem:v57+s19+$0x0] =	vst.idx.msk $0xffff, v36  }
0x2e9: {  	v59 =	vor.u32 v30, v35;
	v36 =	vld.idx.msk [tilespmem:v58+s14+$0x0], $0xffff  }
0x2ea: {  	v60 =	vor.u32 $0x1D, v34;
	_ =	sdelay $0x3  }
0x2eb: {  	[tilespmem:v59+s19+$0x0] =	vst.idx.msk $0xffff, v36  }
0x2ec: {  	v61 =	vor.u32 v31, v35;
	v36 =	vld.idx.msk [tilespmem:v60+s14+$0x0], $0xffff  }
0x2ed: {  	v62 =	vor.u32 $0x1E, v34;
	_ =	sdelay $0x3  }
0x2ee: {  	[tilespmem:v61+s19+$0x0] =	vst.idx.msk $0xffff, v36  }
0x2ef: {  	v63 =	vor.u32 v32, v35;
	v36 =	vld.idx.msk [tilespmem:v62+s14+$0x0], $0xffff  }
0x2f0: {  	v34 =	vor.u32 $0x1F, v34;
	_ =	sdelay $0x3  }
0x2f1: {  	[tilespmem:v63+s19+$0x0] =	vst.idx.msk $0xffff, v36  }
0x2f2: {  	v35 =	vor.u32 v33, v35;
	v34 =	vld.idx.msk [tilespmem:v34+s14+$0x0], $0xffff;
	_ =	sdelay $0x4  }
0x2f3: {  	s0 =	simm.s32 @!p0 $0x4;
	[tilespmem:v35+s19+$0x0] =	vst.idx.msk $0xffff, v34  }
0x2f4: {  	_ =	swait.ge @!p0 [sflag:s0], $0x2000  }
0x2f5: {  	s24 =	sadd.s32 $0x1, s24;
	[sflag:s0] =	ssyncset.done @!p0 $0x0  }
0x2f6: {  	[sflag:s0] =	ssyncadd.s32 @!p0 $0xFFFFE000;
	p0 =	sne.s32 s24, $0x1A  }
.Ltmp3:
0x2f7: {  	s1 =	sshll.u32 s25, $0xD;
	(pc) =	sbr.rel @p0 .LBB2_4-.Ltmp3, $4  }
0x2f8: {  	s1 =	sadd.s32 s6, s1  }
0x2f9: {  	s1 =	sshrl.u32 s1, $0x3  }
0x2fa: {  	s31 =	sadd.s32 s2, s1  }
0x2fb: {  	[hbm4b:s31+s3] =	stream.linear.scatter [tilespmem:s19], [sflag:$0x4], $0x2000, $0x38;
	[tilespmem:$0x1A800] =	vst v63  }
0x2fc: {  	s22 =	sadd.s32 $0x1, s22  }
0x2fd: {  	_ =	swait.ge [sflag:s20], $0x2000;
	p0 =	sne.s32 s22, s7  }
.Ltmp4:
0x2fe: {  	[sflag:s20] =	ssyncset.done $0x0;
	(pc) =	sbr.rel @p0 .LBB2_1-.Ltmp4, $4  }
0x2ff: {  	[sflag:s20] =	ssyncadd.s32 $0xFFFFE000  }
0x300: {  	_ =	swait.ge [sflag:s21], $0x2000  }
0x301: {  	[sflag:s21] =	ssyncset.done $0x0  }
0x302: {  	[sflag:s21] =	ssyncadd.s32 $0xFFFFE000  }
0x303: {  	_ =	sfence.sel $0x180000  }
0x304: {  	[bflag:$0x0] =	sbarrier.arrive $0xFFFF  }
0x305: {  	_ =	strace $0x90000047  }
0x306: {  	s0 =	stileid.u32;
	[bflag:$0x2] =	sbarrier.arrive $0xFFFF  }
0x307: {  	p0 =	sne.s32 s0, $0x0;
	s0 =	rddreg [dreg:$0x2]  }
0x308: {  	s0 =	sadd.s32 @!p0 $0x100000, s0  }
0x309: {  	[sflag:s0] =	ssyncadd.tile.s32 @!p0 $0x1;
	_ =	shalt  }
.Lfunc_end2:
_tile_overlayer_lowered:
.L_overlay_start_2:
0x30a: {  	(tag) =	ssettag $0x2  }
0x30b: {  	s0 =	rddreg [dreg:$0x0];
	s2 =	stileid.u32  }
0x30c: {  	s1 =	rddreg [dreg:$0x1];
	p0 =	sne.s32 s2, $0x0  }
0x30d: {  	s3 =	rddreg [dreg:$0x2];
	[bflag:$0x3] =	sbarrier.arrive $0xFFFF;
	s2 =	simm.s32 @!p0 $0x1C05  }
0x30e: {  	[timem:s3], [sflag:s2] =	dma.local @!p0 [hbm:s0], s1  }
0x30f: {  	s0 =	simm.s32 @!p0 $0x5  }
0x310: {  	_ =	swait.ge @!p0 [sflag:s0], s1  }
0x311: {  	s1 =	ssub.s32 @!p0 $0x0, s1;
	[sflag:s0] =	ssyncset.done @!p0 $0x0  }
0x312: {  	[sflag:s0] =	ssyncadd.s32 @!p0 s1  }
0x313: {  	[bflag:$0x3] =	sbarrier.arrive $0xFFFF  }
0x314: {  	_ =	shalt  }

// kernel: sparse-core-data-format-call.cloned.1.call-start
scs
called_computation_lowered:
.L_overlay_start_0:
0x0: {  	s2 =	sld [smem:$0x3FD9]  }
0x1: {  	s3 =	sld [smem:$0x3FFE];
	_ =	sdelay $0x1  }
0x2: {  	s1 =	srdreg.scid  }
0x3: {  	s0 =	sand.u32 $0x1, s1  }
0x4: {  	s18 =	sshll.u32 s0, $0xA;
	s2 =	sadd.s32 s3, s2  }
0x5: {  	s2 =	sadd.s32 s2, s18  }
0x6: {  	[smem:$0x3FC5] =	sst s2  }
0x7: {  	_ = 	snop  }
0x8: {  	s2 =	sld [smem:$0x3FD0];
	(tm) =	ssettm $0x1  }
0x9: {  	s19 =	sld [smem:$0x3FFB];
	_ =	sdelay $0x3  }
0xa: {  	_ =	strace s19  }
0xb: {  	s3 =	sld [smem:$0x3FFC];
	_ =	sdelay $0x3  }
0xc: {  	_ =	strace s3  }
0xd: {  	s3 =	sld [smem:$0x3FFD];
	_ =	sdelay $0x3  }
0xe: {  	_ =	strace s3  }
0xf: {  	_ =	strace $0x8FFFFFFF  }
0x10: {  	s20 =	sld [smem:$0x3FDB];
	_ =	sdelay $0x1  }
0x11: {  	s4 =	simm.s32 $_scs_section_size  }
0x12: {  	s5 =	simm.s32 $_size__tile_overlayer_lowered;
	s6 =	simm.s32 $_tile_overlayer_lowered  }
0x13: {  	s23 =	simm.s32 $0x1BFF;
	s22 =	sshll.u32 s6, $0x1;
	s3 =	sadd.s32 s4, s20  }
0x14: {  	s7 =	simm.s32 $0x0;
	s21 =	sshll.u32 s5, $0x1;
	s5 =	sadd.s32 s22, s3  }
0x15: {  	[timem:s7], [sflag:s23] =	dma.local [hbm:s5], s21  }
0x16: {  	_ =	swait.ge [sflag:s23], s21  }
0x17: {  	s4 =	ssub.s32 $0x0, s21;
	[sflag:s23] =	ssyncset.done $0x0  }
0x18: {  	[sflag:s23] =	ssyncadd.s32 s4;
	_ =	sdelay $0x1  }
0x19: {  	s24 =	simm.s32 $0x1B8B  }
0x1a: {  	_ =	swait.ge [sflag:s24], $0x1  }
0x1b: {  	[sflag:s24] =	ssyncset.done $0x0  }
0x1c: {  	s26 =	simm.s32 $0x1B8E;
	s25 =	sld [smem:$0x3FFE];
	[sflag:s24] =	ssyncadd.s32 $0xFFFFFFFF  }
0x1d: {  	s27 =	simm.s32 $execute0_lowered;
	[smem:$0x3FD2] =	sst s26  }
0x1e: {  	s5 =	sshll.u32 s27, $0x1;
	_ =	strace $0x80000049;
	[dreg:$0x1] =	wrdreg $0xFFFFFFFF  }
0x1f: {  	s28 =	simm.s32 $_size_execute0_lowered;
	s3 =	sadd.s32 s3, s5;
	[dreg:$0x0] =	wrdreg $0x0  }
0x20: {  	s5 =	sshll.u32 s28, $0x1;
	[dreg:$0x2] =	wrdreg s3  }
0x21: {  	[dreg:$0x3] =	wrdreg s5  }
0x22: {  	[dreg:$0x4] =	wrdreg $0xC0  }
0x23: {  	_ =	task [dreg:s7], $0x5FFFF  }
0x24: {  	[dreg:$0x1] =	wrdreg $0xFFFFFFFF  }
0x25: {  	[dreg:$0x0] =	wrdreg $0x60  }
0x26: {  	[dreg:$0x2] =	wrdreg s25  }
0x27: {  	[dreg:$0x3] =	wrdreg s2  }
0x28: {  	[dreg:$0x4] =	wrdreg $0x9  }
0x29: {  	_ =	task.clear_ibuf [dreg:s7], $0x5FFFF;
	_ =	strace $0x90000049  }
0x2a: {  	s29 =	simm.s32 $0x9;
	_ =	strace $0x8000004B  }
0x2b: {  	_ =	swait.ge [sflag:s29], $0x1  }
0x2c: {  	[sflag:s29] =	ssyncadd.s32 $0xFFFFFFFF  }
0x2d: {  	_ =	strace $0x9000004B  }
0x2e: {  	_ =	sfence  }
0x2f: {  	s30 =	sld [smem:$0x0];
	_ =	sdelay $0x2  }
0x30: {  	s31 =	sshll.u32 s1, $0xD;
	s1 =	sshrl.u32 s1, $0x2  }
0x31: {  	s3 =	sand.u32 $0x4000, s31;
	s1 =	sadd.s32 s1, s30  }
0x32: {  	s0 =	sor.u32 s3, s0;
	s1 =	sshll.u32 s1, $0x11  }
0x33: {  	s0 =	sor.u32 s1, s0  }
0x34: {  	s0 =	sadd.s32 $0x8F2B, s0  }
0x35: {  	[sflag:s0] =	ssyncadd.remote.s32 $0x1  }
0x36: {  	_ =	sfence.sel $0xFFFF  }
0x37: {  	[dreg:$0x0] =	wrdreg $0xFFFFFFFF;
	(pc) =	sbr.abs _section_cstart, $3  }
0x38: {  	[dreg:$0x1] =	wrdreg $0xFFFFFFFF  }
0x39: {  	_ =	task.clear_ibuf [dreg:s7], $0x2FFFF;
	_ =	strace $0x9FFFFFFF  }
0x3a: {  	(tm) =	ssettm $0x7FFFFFFF  }
0x3b: {  	_ =	shalt  }
tec
execute0_lowered:
.L_overlay_start_1:
0x0: {  	(tag) =	ssettag $0x1  }
0x1: {  	s0 =	srdreg.scid  }
0x2: {  	s1 =	sshll.u32 s0, $0x4  }
0x3: {  	s0 =	stileid.u32;
	s1 =	sand.u32 $0x10, s1  }
0x4: {  	s1 =	sor.u32 s0, s1  }
0x5: {  	s6 =	rddreg [dreg:$0x0];
	s4 =	simm.s32 $0x1;
	s2 =	sshll.u32 s1, $0x7  }
0x6: {  	s7 =	simm.s32 $0x2;
	s12 =	simm.s32 $0x0;
	s1 =	ssub.s32 $0x4000, s2  }
0x7: {  	s8 =	simm.s32 $0x20000;
	s13 =	simm.s32 $0x0;
	s3 =	sand.u32 $0xF80, s1  }
0x8: {  	s9 =	simm.s32 $0x0;
	s5 =	sshrl.u32 s1, $0xC;
	p0 =	sne.s32 s3, $0x0  }
.Ltmp0:
0x9: {  	s1 =	rddreg [dreg:$0x2];
	s4 =	simm.s32 @!p0 $0x0;
	(pc) =	sbr.rel .LBB1_1-.Ltmp0, $4  }
0xa: {  	s11 =	simm.s32 $0x0;
	s3 =	rddreg [dreg:$0x1];
	s5 =	sadd.s32 s4, s5  }
0xb: {  	_ =	strace $0x8000004A;
	s4 =	simm.s32 $0x1;
	s5 =	smul.u32 $0x1A, s5  }
0xc: {  	s6 =	sadd.s32 $0x800, s6;
	s10 =	smov.u32 s2;
	[sflag:s4] =	ssyncpa.u1 $0x0  }
0xd: {  	p0 =	por $0x0, $0x0;
	[sflag:s7] =	ssyncpa.u1 $0x0;
	s7 =	sor.u32 $0x1, s5  }
.LBB1_4:
0xe: {  	s16 =	sshll.u32 s13, $0x3;
	s17 =	sand.u32 $0x78, s13  }
0xf: {  	s30 =	sand.u32 $0xF800, s13;
	s12 =	sshll.u32 s12, $0x10;
	s16 =	sand.u32 $0x3C00, s16  }
0x10: {  	s31 =	sand.u32 $0x7, s13;
	s16 =	sor.u32 s17, s16;
	s17 =	sadd.s32 s3, s30  }
0x11: {  	s13 =	sshll.u32 s31, $0x12;
	s16 =	sshrl.u32 s16, $0x3;
	s12 =	sadd.s32 s12, s17  }
0x12: {  	[tilespmem:s15+$0x0 ss:$0x81] =	vst.msk $0xffff, v0;
	s13 =	sor.u32 $0x400, s13;
	s12 =	sadd.s32 s16, s12  }
0x13: {  	[hbm4b:s12+s13] =	stream.strided.scatter [tilespmem:s14], [sflag:$0x2], $0x1000, s8, s13, $0x20;
	[tilespmem:$0x4040] =	vst v63  }
.LBB1_5:
0x14: {  	s14 =	sadd.s32 $0x1, s9  }
0x15: {  	s12 =	sadd.s32 $0x1000, s10;
	s16 =	smov.u32 s10;
	p2 =	sgt.s32 s14, $0x19  }
0x16: {  	s16 =	smov.u32 @p2 s12  }
0x17: {  	s14 =	simm.s32 @p2 $0x0;
	p2 =	sgt.s32 s16, $0x3FFF  }
0x18: {  	s16 =	smov.u32 @p2 s2;
	p2 =	sne.s32 s11, s7  }
.Ltmp1:
0x19: {  	p1 =	slt.u32 s11, $0x2;
	(pc) =	sbr.rel @!p2 .LBB1_6-.Ltmp1, $4  }
0x1a: {  	s15 =	simm.s32 @!p1 $0x2  }
0x1b: {  	s13 =	smov.u32 s10;
	p0 =	por !p0, !p0;
	_ =	swait.ge @!p1 [sflag:s15], $0x1000  }
0x1c: {  	s12 =	smov.u32 s9;
	[sflag:s15] =	ssyncset.done @!p1 $0x0;
	s9 =	smov.u32 s14  }
0x1d: {  	s11 =	sadd.s32 $0x1, s11;
	[sflag:s15] =	ssyncadd.s32 @!p1 $0xFFFFF000;
	s10 =	smov.u32 s16  }
.LBB1_1:
0x1e: {  	p1 =	sge.u32 s11, s5  }
0x1f: {  	s31 =	sadd.s32 $0xFFFFFFFF, s11;
	s14 =	sxor.u32 @!p1 $0xFFFFFFFF, s11  }
0x20: {  	s15 =	sshll.u32 @!p1 s10, $0x9;
	s16 =	sshll.u32 @!p1 s9, $0x4;
	s17 =	simm.s32 @!p1 $0x1000  }
0x21: {  	s14 =	sshll.u32 @!p1 s14, $0xC;
	s16 =	sand.u32 @!p1 $0x1F0, s16;
	s15 =	sadd.s32 @!p1 s6, s15  }
0x22: {  	s14 =	sand.u32 @!p1 $0x1000, s14;
	s15 =	sadd.s32 @!p1 s16, s15;
	s16 =	simm.s32 @!p1 $0x20  }
0x23: {  	[tilespmem:s14], [sflag:$0x1] =	stream.strided.gather @!p1 [hbm4b:s15+s16], $0x1000, s17, s16, $0x38;
	[tilespmem:$0x4040] =	vst v63  }
0x24: {  	p1 =	sge.u32 s31, s5  }
.Ltmp2:
0x25: {  	_ = 	snop;
	(pc) =	sbr.rel @p1 .LBB1_5-.Ltmp2, $1  }
0x26: {  	_ =	sdelay $0x3  }
0x27: {  	s14 =	simm.s32 $0x1  }
0x28: {  	_ =	swait.ge [sflag:s4], $0x1000;
	s14 =	simm.s32 @!p0 $0x0  }
0x29: {  	[sflag:s4] =	ssyncset.done $0x0;
	s15 =	sshll.u32 s14, $0xC  }
0x2a: {  	[sflag:s4] =	ssyncadd.s32 $0xFFFFF000;
	s18 =	sor.u32 $0x10, s15  }
0x2b: {  	s14 =	smul.u32 $0x4080, s14;
	v1 =	vld [tilespmem:s18+$0x0]  }
0x2c: {  	s30 =	sand.u32 $0x1, s11;
	v0 =	vld [tilespmem:s18+$0xFFFFFFF0]  }
0x2d: {  	s15 =	smul.u32 $0x4080, s30;
	s14 =	sshrl.u32 s14, $0x2  }
0x2e: {  	s16 =	sor.u32 $0x2000, s14  }
0x2f: {  	s31 =	sshrl.u32 s15, $0x2;
	s15 =	sadd.s32 $0x0, s16  }
0x30: {  	s17 =	simm.s32 $0x4;
	s18 =	sadd.s32 $0x20, s18;
	s14 =	sor.u32 $0x2000, s31;
	[tilespmem:s15+$0x810 ss:$0x81] =	vst.msk $0xffff, v1  }
.LBB1_3:
0x31: {  	v1 =	vld [tilespmem:s18+$0x0];
	p1 =	sne.s32 s17, $0x1FC;
	[tilespmem:s15+$0x0 ss:$0x81] =	vst.msk $0xffff, v0;
	s15 =	smov.u32 s17;
	s17 =	sadd.s32 $0x4, s17  }
.Ltmp3:
0x32: {  	v0 =	vld [tilespmem:s18+$0xFFFFFFF0];
	(pc) =	sbr.rel @p1 .LBB1_3-.Ltmp3, $4  }
0x33: {  	_ = 	snop  }
0x34: {  	s15 =	sshra.s32 s15, $0x2  }
0x35: {  	s15 =	sadd.s32 s15, s16  }
0x36: {  	s18 =	sadd.s32 $0x20, s18;
	[tilespmem:s15+$0x810 ss:$0x81] =	vst.msk $0xffff, v1  }
.Ltmp4:
0x37: {  	_ = 	snop;
	(pc) =	sbr.rel .LBB1_4-.Ltmp4, $1  }
0x38: {  	_ =	sdelay $0x3  }
.LBB1_6:
0x39: {  	_ =	sfence.sel $0x180000  }
0x3a: {  	s2 =	simm.s32 $0x1;
	[bflag:$0x0] =	sbarrier.arrive $0xFFFF  }
0x3b: {  	s31 =	simm.s32 $0x2;
	[sflag:s2] =	ssyncpa.u1 $0x1  }
0x3c: {  	[sflag:s31] =	ssyncpa.u1 $0x1  }
0x3d: {  	p0 =	sne.s32 s0, $0x0;
	_ =	strace $0x9000004A  }
0x3e: {  	s0 =	sadd.s32 @!p0 $0x100000, s1;
	[bflag:$0x2] =	sbarrier.arrive $0xFFFF  }
0x3f: {  	[sflag:s0] =	ssyncadd.tile.s32 @!p0 $0x1;
	_ =	shalt  }
.Lfunc_end1:
_tile_overlayer_lowered:
.L_overlay_start_2:
0x40: {  	(tag) =	ssettag $0x2  }
0x41: {  	s0 =	rddreg [dreg:$0x0];
	s2 =	stileid.u32  }
0x42: {  	s1 =	rddreg [dreg:$0x1];
	p0 =	sne.s32 s2, $0x0  }
0x43: {  	s3 =	rddreg [dreg:$0x2];
	[bflag:$0x3] =	sbarrier.arrive $0xFFFF;
	s2 =	simm.s32 @!p0 $0x1C01  }
0x44: {  	[timem:s3], [sflag:s2] =	dma.local @!p0 [hbm:s0], s1  }
0x45: {  	s0 =	simm.s32 @!p0 $0x1  }
0x46: {  	_ =	swait.ge @!p0 [sflag:s0], s1  }
0x47: {  	s1 =	ssub.s32 @!p0 $0x0, s1;
	[sflag:s0] =	ssyncset.done @!p0 $0x0  }
0x48: {  	[sflag:s0] =	ssyncadd.s32 @!p0 s1  }
0x49: {  	[bflag:$0x3] =	sbarrier.arrive $0xFFFF  }
0x4a: {  	_ =	shalt  }

</sc_bundles>
